<compile_context>
chip_gen: v7x
topology: tpu7x:2x2x1
jax: 0.10.2.dev20260603
libtpu: 0.0.44.dev20260713+nightly
codegen_flags: <defaults>
</compile_context>

<pallas_src>
import functools

import jax
import jax.numpy as jnp
from jax import lax
from jax.experimental import pallas as pl
from jax.experimental.pallas import tpu as pltpu
from jax.experimental.pallas import tpu_sc as plsc

VOCAB = 1000000
EMB = 64
B = 16384
LANE = 128

_info = plsc.get_sparse_core_info()
NC, NS, L = _info.num_cores, _info.num_subcores, _info.num_lanes
NW = NC * NS
BPW = B // NW
SG = 2
NSG = L // SG


@functools.partial(
    pl.kernel,
    mesh=plsc.VectorSubcoreMesh(core_axis_name="c", subcore_axis_name="s"),
    out_type=jax.ShapeDtypeStruct((B, EMB), jnp.float32),
    scratch_types=[
        pltpu.VMEM((BPW,), jnp.int32),
        pltpu.VMEM((3, SG, EMB, LANE), jnp.float32),
        pltpu.VMEM((BPW, EMB), jnp.float32),
        pltpu.SemaphoreType.DMA,
    ],
    compiler_params=pltpu.CompilerParams(needs_layout_passes=False),
)
def _gather_kernel(tableT_hbm, idx_hbm, out_hbm, idx_v, win_v, rows_v, sem):
    wid = lax.axis_index("s") * NC + lax.axis_index("c")
    base = wid * BPW
    pltpu.sync_copy(idx_hbm.at[pl.ds(base, BPW)], idx_v)

    iota = lax.iota(jnp.int32, L)

    def body(g, _):
        vec = idx_v[pl.ds(g * L, L)]
        vbase = (vec >> 7) << 7
        ri_vec = vec & (LANE - 1)

        def fire(j):
            for l in range(SG):
                off = pl.multiple_of(vbase[j * SG + l], LANE)
                pltpu.make_async_copy(
                    tableT_hbm.at[:, pl.ds(off, LANE)],
                    win_v.at[j % 3, l],
                    sem,
                ).start()

        def drain():
            for l in range(SG):
                pltpu.make_async_copy(
                    tableT_hbm.at[:, pl.ds(0, LANE)],
                    win_v.at[0, l],
                    sem,
                ).wait()

        def extract(j):
            for l in range(SG):
                ri = jnp.full((L,), ri_vec[j * SG + l], jnp.int32)
                for k in range(EMB // L):
                    e_vec = iota + k * L
                    val = plsc.load_gather(win_v.at[j % 3, l], [e_vec, ri])
                    rows_v[g * L + j * SG + l, pl.ds(k * L, L)] = val

        fire(0)
        fire(1)
        for j in range(NSG):
            if j + 2 < NSG:
                fire(j + 2)
            drain()
            extract(j)
        return 0

    lax.fori_loop(0, BPW // L, body, 0, unroll=False)

    pltpu.sync_copy(rows_v, out_hbm.at[pl.ds(base, BPW)])


def kernel(input, hidden, cell, table):
    idx = input.astype(jnp.int32)
    out = _gather_kernel(table.T, idx)
    return out[:, None, :]

# --- scband reference (transcript-rebuilt; emitter-appended) ---
"""Pipeline reference for scband-decoder-18210661335223 (READ-ONLY COPY).

The authoritative reference and input builder live on the scoring server;
editing this copy changes nothing except your own understanding.
"""

import jax, jax.numpy as jnp
import numpy as np

VOCAB = 1000000
EMB = 64
B = 16384
N_LAYERS = 2
HID = 512
PAD_IDX = 0


def setup_inputs(seed: int = 0) -> dict:
    key = jax.random.key(seed)
    k1, k2, k3, k4 = jax.random.split(key, 4)
    inp = jax.random.randint(k1, (B,), 0, VOCAB)
    hidden = jax.random.normal(k2, (N_LAYERS, B, HID), dtype=jnp.float32)
    cell = jax.random.normal(k3, (N_LAYERS, B, HID), dtype=jnp.float32)
    # nn.Embedding weight ~ N(0,1); padding_idx row zeroed at init
    table = jax.random.normal(k4, (VOCAB, EMB), dtype=jnp.float32)
    table = table.at[PAD_IDX].set(0.0)
    return {"input": inp, "hidden": hidden, "cell": cell, "table": table}


def reference(input, hidden, cell, table):
    # input = input.unsqueeze(1) -> [B, 1]
    inp = input[:, None]
    # embedded = self.dropout(self.embedding(input)); dropout is identity in eval mode
    embedded = jnp.take(table, inp, axis=0)  # [B, 1, EMB]
    # prediction is None in the original (incomplete) module; the concrete
    # computation performed is the embedding lookup + dropout, so we return it.
    return embedded

if __name__ == "__main__":
    import jax
    _d = setup_inputs()
    print(jax.jit(kernel)(*tuple(_d.values())))

</pallas_src>

<mosaic_0001>
#map = affine_map<(d0, d1) -> (0, 0)>
#map1 = affine_map<(d0, d1) -> (0)>
module attributes {stable_mosaic.version = 14 : i64} {
  func.func @_gather_kernel(%arg0: i32, %arg1: i32, %arg2: memref<64x1000000xf32, #tpu.memory_space<hbm>>, %arg3: memref<16384xi32, #tpu.memory_space<hbm>>, %arg4: memref<16384x64xf32, #tpu.memory_space<hbm>>, %arg5: memref<512xi32, #tpu.memory_space<vmem>>, %arg6: memref<3x2x64x128xf32, #tpu.memory_space<vmem>>, %arg7: memref<512x64xf32, #tpu.memory_space<vmem>>, %arg8: memref<!tpu.dma_semaphore, #tpu.memory_space<semaphore_mem>>) attributes {dimension_semantics = [#tpu.dimension_semantics<core_parallel>, #tpu.dimension_semantics<subcore_parallel>], iteration_bounds = array<i64: 2, 16>, scalar_prefetch = 0 : i64, scratch_operands = 4 : i64, tpu.core_type = #tpu.core_type<sc_vector_subcore>, window_params = [{transform_indices = #map}, {transform_indices = #map1}, {transform_indices = #map}]} {
    %mul3A = arith.constant 2 : i32
    %mul3A_0 = arith.muli %arg1, %mul3A : i32
    %add3A = arith.addi %mul3A_0, %arg0 : i32
    %mul3A_1 = arith.constant 512 : i32
    %mul3A_2 = arith.muli %add3A, %mul3A_1 : i32
    "tpu.region"() ({
      %run_scoped3A = tpu.sem_alloc : memref<!tpu.dma_semaphore, #tpu.memory_space<semaphore_mem>>
      %dma_start3A = tpu.memref_slice %arg3[%mul3A_2] : memref<16384xi32, #tpu.memory_space<hbm>> -> memref<512xi32, #tpu.memory_space<hbm>>
      %dma_start3A_9 = tpu.memref_slice %arg3[%mul3A_2] : memref<16384xi32, #tpu.memory_space<hbm>> -> memref<512xi32, #tpu.memory_space<hbm>>
      tpu.enqueue_dma source(%dma_start3A_9 : memref<512xi32, #tpu.memory_space<hbm>>) target(%arg5 : memref<512xi32, #tpu.memory_space<vmem>>) target_semaphore(%run_scoped3A : memref<!tpu.dma_semaphore, #tpu.memory_space<semaphore_mem>>)
      %dma_wait3A = tpu.memref_slice %arg3[%mul3A_2] : memref<16384xi32, #tpu.memory_space<hbm>> -> memref<512xi32, #tpu.memory_space<hbm>>
      %dma_wait3A_10 = tpu.memref_slice %arg3[%mul3A_2] : memref<16384xi32, #tpu.memory_space<hbm>> -> memref<512xi32, #tpu.memory_space<hbm>>
      tpu.wait_dma2 semaphore(%run_scoped3A : memref<!tpu.dma_semaphore, #tpu.memory_space<semaphore_mem>>) src(%dma_wait3A_10 : memref<512xi32, #tpu.memory_space<hbm>>) dst(%arg5 : memref<512xi32, #tpu.memory_space<vmem>>)
      tpu.yield
    }) : () -> ()
    %iota3A = tpu.iota {dimensions = array<i32: 0>} : vector<16xi32>
    %scan3A = arith.constant 0 : i32
    %scan3A_3 = arith.constant 0 : i32
    %scan3A_4 = arith.constant 32 : i32
    %scan3A_5 = arith.addi %scan3A_3, %scan3A_4 : i32
    %scan3A_6 = arith.constant 1 : i32
    %scan3A_7 = scf.for %scan3A_9 = %scan3A_3 to %scan3A_5 step %scan3A_6 iter_args(%scan3A_10 = %scan3A) -> (i32)  : i32 {
      %mul3A_11 = arith.constant 16 : i32
      %mul3A_12 = arith.muli %scan3A_9, %mul3A_11 : i32
      %get3A = arith.index_cast %mul3A_12 : i32 to index
      %get3A_13 = tpu.vector_load %arg5[%get3A] {strides = array<i32>} : memref<512xi32, #tpu.memory_space<vmem>>, vector<16xi32>,
      %shift_right_arithmetic3A = arith.constant 7 : i32
      %shift_right_arithmetic3A_14 = vector.broadcast %shift_right_arithmetic3A : i32 to vector<16xi32>
      %shift_right_arithmetic3A_15 = arith.shrsi %get3A_13, %shift_right_arithmetic3A_14 : vector<16xi32>
      %shift_left3A = arith.constant 7 : i32
      %shift_left3A_16 = vector.broadcast %shift_left3A : i32 to vector<16xi32>
      %shift_left3A_17 = arith.shli %shift_right_arithmetic3A_15, %shift_left3A_16 : vector<16xi32>
      %and3A = arith.constant 127 : i32
      %and3A_18 = vector.broadcast %and3A : i32 to vector<16xi32>
      %and3A_19 = arith.andi %get3A_13, %and3A_18 : vector<16xi32>
      %slice3A = vector.extract_strided_slice %shift_left3A_17 {offsets = [0], sizes = [1], strides = [1]} : vector<16xi32> to vector<1xi32>
      %squeeze3A = vector.extract %slice3A[0] : i32 from vector<1xi32>
      %multiple_of3A = tpu.assume_multiple %squeeze3A, 128 : i32
      %dma_start3A = arith.constant 0 : i32
      %dma_start3A_20 = arith.constant 0 : i32
      %dma_start3A_21 = arith.constant 0 : i32
      %dma_start3A_22 = arith.constant 0 : i32
      %dma_start3A_23 = tpu.memref_slice %arg6[%dma_start3A, %dma_start3A_20, %dma_start3A_21, %dma_start3A_22] : memref<3x2x64x128xf32, #tpu.memory_space<vmem>> -> memref<1x1x64x128xf32, #tpu.memory_space<vmem>>
      %dma_start3A_24 = tpu.memref_squeeze %dma_start3A_23 : memref<1x1x64x128xf32, #tpu.memory_space<vmem>> -> memref<64x128xf32, #tpu.memory_space<vmem>>
      %dma_start3A_25 = arith.constant 0 : i32
      %dma_start3A_26 = tpu.memref_slice %arg2[%dma_start3A_25, %multiple_of3A] : memref<64x1000000xf32, #tpu.memory_space<hbm>> -> memref<64x128xf32, #tpu.memory_space<hbm>>
      %dma_start3A_27 = arith.constant 0 : i32
      %dma_start3A_28 = arith.constant 0 : i32
      %dma_start3A_29 = tpu.memref_slice %arg6[%dma_start3A, %dma_start3A_20, %dma_start3A_27, %dma_start3A_28] : memref<3x2x64x128xf32, #tpu.memory_space<vmem>> -> memref<1x1x64x128xf32, #tpu.memory_space<vmem>>
      %dma_start3A_30 = tpu.memref_squeeze %dma_start3A_29 : memref<1x1x64x128xf32, #tpu.memory_space<vmem>> -> memref<64x128xf32, #tpu.memory_space<vmem>>
      %dma_start3A_31 = arith.constant 0 : i32
      %dma_start3A_32 = tpu.memref_slice %arg2[%dma_start3A_31, %multiple_of3A] : memref<64x1000000xf32, #tpu.memory_space<hbm>> -> memref<64x128xf32, #tpu.memory_space<hbm>>
      tpu.enqueue_dma source(%dma_start3A_32 : memref<64x128xf32, #tpu.memory_space<hbm>>) target(%dma_start3A_30 : memref<64x128xf32, #tpu.memory_space<vmem>>) target_semaphore(%arg8 : memref<!tpu.dma_semaphore, #tpu.memory_space<semaphore_mem>>)
      %slice3A_33 = vector.extract_strided_slice %shift_left3A_17 {offsets = [1], sizes = [1], strides = [1]} : vector<16xi32> to vector<1xi32>
      %squeeze3A_34 = vector.extract %slice3A_33[0] : i32 from vector<1xi32>
      %multiple_of3A_35 = tpu.assume_multiple %squeeze3A_34, 128 : i32
      %dma_start3A_36 = arith.constant 0 : i32
      %dma_start3A_37 = arith.constant 1 : i32
      %dma_start3A_38 = arith.constant 0 : i32
      %dma_start3A_39 = arith.constant 0 : i32
      %dma_start3A_40 = tpu.memref_slice %arg6[%dma_start3A_36, %dma_start3A_37, %dma_start3A_38, %dma_start3A_39] : memref<3x2x64x128xf32, #tpu.memory_space<vmem>> -> memref<1x1x64x128xf32, #tpu.memory_space<vmem>>
      %dma_start3A_41 = tpu.memref_squeeze %dma_start3A_40 : memref<1x1x64x128xf32, #tpu.memory_space<vmem>> -> memref<64x128xf32, #tpu.memory_space<vmem>>
      %dma_start3A_42 = arith.constant 0 : i32
      %dma_start3A_43 = tpu.memref_slice %arg2[%dma_start3A_42, %multiple_of3A_35] : memref<64x1000000xf32, #tpu.memory_space<hbm>> -> memref<64x128xf32, #tpu.memory_space<hbm>>
      %dma_start3A_44 = arith.constant 0 : i32
      %dma_start3A_45 = arith.constant 0 : i32
      %dma_start3A_46 = tpu.memref_slice %arg6[%dma_start3A_36, %dma_start3A_37, %dma_start3A_44, %dma_start3A_45] : memref<3x2x64x128xf32, #tpu.memory_space<vmem>> -> memref<1x1x64x128xf32, #tpu.memory_space<vmem>>
      %dma_start3A_47 = tpu.memref_squeeze %dma_start3A_46 : memref<1x1x64x128xf32, #tpu.memory_space<vmem>> -> memref<64x128xf32, #tpu.memory_space<vmem>>
      %dma_start3A_48 = arith.constant 0 : i32
      %dma_start3A_49 = tpu.memref_slice %arg2[%dma_start3A_48, %multiple_of3A_35] : memref<64x1000000xf32, #tpu.memory_space<hbm>> -> memref<64x128xf32, #tpu.memory_space<hbm>>
      tpu.enqueue_dma source(%dma_start3A_49 : memref<64x128xf32, #tpu.memory_space<hbm>>) target(%dma_start3A_47 : memref<64x128xf32, #tpu.memory_space<vmem>>) target_semaphore(%arg8 : memref<!tpu.dma_semaphore, #tpu.memory_space<semaphore_mem>>)
      %slice3A_50 = vector.extract_strided_slice %shift_left3A_17 {offsets = [2], sizes = [1], strides = [1]} : vector<16xi32> to vector<1xi32>
      %squeeze3A_51 = vector.extract %slice3A_50[0] : i32 from vector<1xi32>
      %multiple_of3A_52 = tpu.assume_multiple %squeeze3A_51, 128 : i32
      %dma_start3A_53 = arith.constant 1 : i32
      %dma_start3A_54 = arith.constant 0 : i32
      %dma_start3A_55 = arith.constant 0 : i32
      %dma_start3A_56 = arith.constant 0 : i32
      %dma_start3A_57 = tpu.memref_slice %arg6[%dma_start3A_53, %dma_start3A_54, %dma_start3A_55, %dma_start3A_56] : memref<3x2x64x128xf32, #tpu.memory_space<vmem>> -> memref<1x1x64x128xf32, #tpu.memory_space<vmem>>
      %dma_start3A_58 = tpu.memref_squeeze %dma_start3A_57 : memref<1x1x64x128xf32, #tpu.memory_space<vmem>> -> memref<64x128xf32, #tpu.memory_space<vmem>>
      %dma_start3A_59 = arith.constant 0 : i32
      %dma_start3A_60 = tpu.memref_slice %arg2[%dma_start3A_59, %multiple_of3A_52] : memref<64x1000000xf32, #tpu.memory_space<hbm>> -> memref<64x128xf32, #tpu.memory_space<hbm>>
      %dma_start3A_61 = arith.constant 0 : i32
      %dma_start3A_62 = arith.constant 0 : i32
      %dma_start3A_63 = tpu.memref_slice %arg6[%dma_start3A_53, %dma_start3A_54, %dma_start3A_61, %dma_start3A_62] : memref<3x2x64x128xf32, #tpu.memory_space<vmem>> -> memref<1x1x64x128xf32, #tpu.memory_space<vmem>>
      %dma_start3A_64 = tpu.memref_squeeze %dma_start3A_63 : memref<1x1x64x128xf32, #tpu.memory_space<vmem>> -> memref<64x128xf32, #tpu.memory_space<vmem>>
      %dma_start3A_65 = arith.constant 0 : i32
      %dma_start3A_66 = tpu.memref_slice %arg2[%dma_start3A_65, %multiple_of3A_52] : memref<64x1000000xf32, #tpu.memory_space<hbm>> -> memref<64x128xf32, #tpu.memory_space<hbm>>
      tpu.enqueue_dma source(%dma_start3A_66 : memref<64x128xf32, #tpu.memory_space<hbm>>) target(%dma_start3A_64 : memref<64x128xf32, #tpu.memory_space<vmem>>) target_semaphore(%arg8 : memref<!tpu.dma_semaphore, #tpu.memory_space<semaphore_mem>>)
      %slice3A_67 = vector.extract_strided_slice %shift_left3A_17 {offsets = [3], sizes = [1], strides = [1]} : vector<16xi32> to vector<1xi32>
      %squeeze3A_68 = vector.extract %slice3A_67[0] : i32 from vector<1xi32>
      %multiple_of3A_69 = tpu.assume_multiple %squeeze3A_68, 128 : i32
      %dma_start3A_70 = arith.constant 1 : i32
      %dma_start3A_71 = arith.constant 1 : i32
      %dma_start3A_72 = arith.constant 0 : i32
      %dma_start3A_73 = arith.constant 0 : i32
      %dma_start3A_74 = tpu.memref_slice %arg6[%dma_start3A_70, %dma_start3A_71, %dma_start3A_72, %dma_start3A_73] : memref<3x2x64x128xf32, #tpu.memory_space<vmem>> -> memref<1x1x64x128xf32, #tpu.memory_space<vmem>>
      %dma_start3A_75 = tpu.memref_squeeze %dma_start3A_74 : memref<1x1x64x128xf32, #tpu.memory_space<vmem>> -> memref<64x128xf32, #tpu.memory_space<vmem>>
      %dma_start3A_76 = arith.constant 0 : i32
      %dma_start3A_77 = tpu.memref_slice %arg2[%dma_start3A_76, %multiple_of3A_69] : memref<64x1000000xf32, #tpu.memory_space<hbm>> -> memref<64x128xf32, #tpu.memory_space<hbm>>
      %dma_start3A_78 = arith.constant 0 : i32
      %dma_start3A_79 = arith.constant 0 : i32
      %dma_start3A_80 = tpu.memref_slice %arg6[%dma_start3A_70, %dma_start3A_71, %dma_start3A_78, %dma_start3A_79] : memref<3x2x64x128xf32, #tpu.memory_space<vmem>> -> memref<1x1x64x128xf32, #tpu.memory_space<vmem>>
      %dma_start3A_81 = tpu.memref_squeeze %dma_start3A_80 : memref<1x1x64x128xf32, #tpu.memory_space<vmem>> -> memref<64x128xf32, #tpu.memory_space<vmem>>
      %dma_start3A_82 = arith.constant 0 : i32
      %dma_start3A_83 = tpu.memref_slice %arg2[%dma_start3A_82, %multiple_of3A_69] : memref<64x1000000xf32, #tpu.memory_space<hbm>> -> memref<64x128xf32, #tpu.memory_space<hbm>>
      tpu.enqueue_dma source(%dma_start3A_83 : memref<64x128xf32, #tpu.memory_space<hbm>>) target(%dma_start3A_81 : memref<64x128xf32, #tpu.memory_space<vmem>>) target_semaphore(%arg8 : memref<!tpu.dma_semaphore, #tpu.memory_space<semaphore_mem>>)
      %slice3A_84 = vector.extract_strided_slice %shift_left3A_17 {offsets = [4], sizes = [1], strides = [1]} : vector<16xi32> to vector<1xi32>
      %squeeze3A_85 = vector.extract %slice3A_84[0] : i32 from vector<1xi32>
      %multiple_of3A_86 = tpu.assume_multiple %squeeze3A_85, 128 : i32
      %dma_start3A_87 = arith.constant 2 : i32
      %dma_start3A_88 = arith.constant 0 : i32
      %dma_start3A_89 = arith.constant 0 : i32
      %dma_start3A_90 = arith.constant 0 : i32
      %dma_start3A_91 = tpu.memref_slice %arg6[%dma_start3A_87, %dma_start3A_88, %dma_start3A_89, %dma_start3A_90] : memref<3x2x64x128xf32, #tpu.memory_space<vmem>> -> memref<1x1x64x128xf32, #tpu.memory_space<vmem>>
      %dma_start3A_92 = tpu.memref_squeeze %dma_start3A_91 : memref<1x1x64x128xf32, #tpu.memory_space<vmem>> -> memref<64x128xf32, #tpu.memory_space<vmem>>
      %dma_start3A_93 = arith.constant 0 : i32
      %dma_start3A_94 = tpu.memref_slice %arg2[%dma_start3A_93, %multiple_of3A_86] : memref<64x1000000xf32, #tpu.memory_space<hbm>> -> memref<64x128xf32, #tpu.memory_space<hbm>>
      %dma_start3A_95 = arith.constant 0 : i32
      %dma_start3A_96 = arith.constant 0 : i32
      %dma_start3A_97 = tpu.memref_slice %arg6[%dma_start3A_87, %dma_start3A_88, %dma_start3A_95, %dma_start3A_96] : memref<3x2x64x128xf32, #tpu.memory_space<vmem>> -> memref<1x1x64x128xf32, #tpu.memory_space<vmem>>
      %dma_start3A_98 = tpu.memref_squeeze %dma_start3A_97 : memref<1x1x64x128xf32, #tpu.memory_space<vmem>> -> memref<64x128xf32, #tpu.memory_space<vmem>>
      %dma_start3A_99 = arith.constant 0 : i32
      %dma_start3A_100 = tpu.memref_slice %arg2[%dma_start3A_99, %multiple_of3A_86] : memref<64x1000000xf32, #tpu.memory_space<hbm>> -> memref<64x128xf32, #tpu.memory_space<hbm>>
      tpu.enqueue_dma source(%dma_start3A_100 : memref<64x128xf32, #tpu.memory_space<hbm>>) target(%dma_start3A_98 : memref<64x128xf32, #tpu.memory_space<vmem>>) target_semaphore(%arg8 : memref<!tpu.dma_semaphore, #tpu.memory_space<semaphore_mem>>)
      %slice3A_101 = vector.extract_strided_slice %shift_left3A_17 {offsets = [5], sizes = [1], strides = [1]} : vector<16xi32> to vector<1xi32>
      %squeeze3A_102 = vector.extract %slice3A_101[0] : i32 from vector<1xi32>
      %multiple_of3A_103 = tpu.assume_multiple %squeeze3A_102, 128 : i32
      %dma_start3A_104 = arith.constant 2 : i32
      %dma_start3A_105 = arith.constant 1 : i32
      %dma_start3A_106 = arith.constant 0 : i32
      %dma_start3A_107 = arith.constant 0 : i32
      %dma_start3A_108 = tpu.memref_slice %arg6[%dma_start3A_104, %dma_start3A_105, %dma_start3A_106, %dma_start3A_107] : memref<3x2x64x128xf32, #tpu.memory_space<vmem>> -> memref<1x1x64x128xf32, #tpu.memory_space<vmem>>
      %dma_start3A_109 = tpu.memref_squeeze %dma_start3A_108 : memref<1x1x64x128xf32, #tpu.memory_space<vmem>> -> memref<64x128xf32, #tpu.memory_space<vmem>>
      %dma_start3A_110 = arith.constant 0 : i32
      %dma_start3A_111 = tpu.memref_slice %arg2[%dma_start3A_110, %multiple_of3A_103] : memref<64x1000000xf32, #tpu.memory_space<hbm>> -> memref<64x128xf32, #tpu.memory_space<hbm>>
      %dma_start3A_112 = arith.constant 0 : i32
      %dma_start3A_113 = arith.constant 0 : i32
      %dma_start3A_114 = tpu.memref_slice %arg6[%dma_start3A_104, %dma_start3A_105, %dma_start3A_112, %dma_start3A_113] : memref<3x2x64x128xf32, #tpu.memory_space<vmem>> -> memref<1x1x64x128xf32, #tpu.memory_space<vmem>>
      %dma_start3A_115 = tpu.memref_squeeze %dma_start3A_114 : memref<1x1x64x128xf32, #tpu.memory_space<vmem>> -> memref<64x128xf32, #tpu.memory_space<vmem>>
      %dma_start3A_116 = arith.constant 0 : i32
      %dma_start3A_117 = tpu.memref_slice %arg2[%dma_start3A_116, %multiple_of3A_103] : memref<64x1000000xf32, #tpu.memory_space<hbm>> -> memref<64x128xf32, #tpu.memory_space<hbm>>
      tpu.enqueue_dma source(%dma_start3A_117 : memref<64x128xf32, #tpu.memory_space<hbm>>) target(%dma_start3A_115 : memref<64x128xf32, #tpu.memory_space<vmem>>) target_semaphore(%arg8 : memref<!tpu.dma_semaphore, #tpu.memory_space<semaphore_mem>>)
      %dma_wait3A = arith.constant 0 : i32
      %dma_wait3A_118 = arith.constant 0 : i32
      %dma_wait3A_119 = arith.constant 0 : i32
      %dma_wait3A_120 = arith.constant 0 : i32
      %dma_wait3A_121 = tpu.memref_slice %arg6[%dma_wait3A, %dma_wait3A_118, %dma_wait3A_119, %dma_wait3A_120] : memref<3x2x64x128xf32, #tpu.memory_space<vmem>> -> memref<1x1x64x128xf32, #tpu.memory_space<vmem>>
      %dma_wait3A_122 = tpu.memref_squeeze %dma_wait3A_121 : memref<1x1x64x128xf32, #tpu.memory_space<vmem>> -> memref<64x128xf32, #tpu.memory_space<vmem>>
      %dma_wait3A_123 = arith.constant 0 : i32
      %dma_wait3A_124 = arith.constant 0 : i32
      %dma_wait3A_125 = tpu.memref_slice %arg2[%dma_wait3A_123, %dma_wait3A_124] : memref<64x1000000xf32, #tpu.memory_space<hbm>> -> memref<64x128xf32, #tpu.memory_space<hbm>>
      %dma_wait3A_126 = arith.constant 0 : i32
      %dma_wait3A_127 = arith.constant 0 : i32
      %dma_wait3A_128 = tpu.memref_slice %arg6[%dma_wait3A, %dma_wait3A_118, %dma_wait3A_126, %dma_wait3A_127] : memref<3x2x64x128xf32, #tpu.memory_space<vmem>> -> memref<1x1x64x128xf32, #tpu.memory_space<vmem>>
      %dma_wait3A_129 = tpu.memref_squeeze %dma_wait3A_128 : memref<1x1x64x128xf32, #tpu.memory_space<vmem>> -> memref<64x128xf32, #tpu.memory_space<vmem>>
      %dma_wait3A_130 = arith.constant 0 : i32
      %dma_wait3A_131 = arith.constant 0 : i32
      %dma_wait3A_132 = tpu.memref_slice %arg2[%dma_wait3A_130, %dma_wait3A_131] : memref<64x1000000xf32, #tpu.memory_space<hbm>> -> memref<64x128xf32, #tpu.memory_space<hbm>>
      tpu.wait_dma2 semaphore(%arg8 : memref<!tpu.dma_semaphore, #tpu.memory_space<semaphore_mem>>) src(%dma_wait3A_132 : memref<64x128xf32, #tpu.memory_space<hbm>>) dst(%dma_wait3A_129 : memref<64x128xf32, #tpu.memory_space<vmem>>)
      %dma_wait3A_133 = arith.constant 0 : i32
      %dma_wait3A_134 = arith.constant 1 : i32
      %dma_wait3A_135 = arith.constant 0 : i32
      %dma_wait3A_136 = arith.constant 0 : i32
      %dma_wait3A_137 = tpu.memref_slice %arg6[%dma_wait3A_133, %dma_wait3A_134, %dma_wait3A_135, %dma_wait3A_136] : memref<3x2x64x128xf32, #tpu.memory_space<vmem>> -> memref<1x1x64x128xf32, #tpu.memory_space<vmem>>
      %dma_wait3A_138 = tpu.memref_squeeze %dma_wait3A_137 : memref<1x1x64x128xf32, #tpu.memory_space<vmem>> -> memref<64x128xf32, #tpu.memory_space<vmem>>
      %dma_wait3A_139 = arith.constant 0 : i32
      %dma_wait3A_140 = arith.constant 0 : i32
      %dma_wait3A_141 = tpu.memref_slice %arg2[%dma_wait3A_139, %dma_wait3A_140] : memref<64x1000000xf32, #tpu.memory_space<hbm>> -> memref<64x128xf32, #tpu.memory_space<hbm>>
      %dma_wait3A_142 = arith.constant 0 : i32
      %dma_wait3A_143 = arith.constant 0 : i32
      %dma_wait3A_144 = tpu.memref_slice %arg6[%dma_wait3A_133, %dma_wait3A_134, %dma_wait3A_142, %dma_wait3A_143] : memref<3x2x64x128xf32, #tpu.memory_space<vmem>> -> memref<1x1x64x128xf32, #tpu.memory_space<vmem>>
      %dma_wait3A_145 = tpu.memref_squeeze %dma_wait3A_144 : memref<1x1x64x128xf32, #tpu.memory_space<vmem>> -> memref<64x128xf32, #tpu.memory_space<vmem>>
      %dma_wait3A_146 = arith.constant 0 : i32
      %dma_wait3A_147 = arith.constant 0 : i32
      %dma_wait3A_148 = tpu.memref_slice %arg2[%dma_wait3A_146, %dma_wait3A_147] : memref<64x1000000xf32, #tpu.memory_space<hbm>> -> memref<64x128xf32, #tpu.memory_space<hbm>>
      tpu.wait_dma2 semaphore(%arg8 : memref<!tpu.dma_semaphore, #tpu.memory_space<semaphore_mem>>) src(%dma_wait3A_148 : memref<64x128xf32, #tpu.memory_space<hbm>>) dst(%dma_wait3A_145 : memref<64x128xf32, #tpu.memory_space<vmem>>)
      %slice3A_149 = vector.extract_strided_slice %and3A_19 {offsets = [0], sizes = [1], strides = [1]} : vector<16xi32> to vector<1xi32>
      %squeeze3A_150 = vector.extract %slice3A_149[0] : i32 from vector<1xi32>
      %broadcast_in_dim3A = vector.broadcast %squeeze3A_150 : i32 to vector<16xi32>
      %add3A_151 = arith.constant 0 : i32
      %add3A_152 = vector.broadcast %add3A_151 : i32 to vector<16xi32>
      %add3A_153 = arith.addi %iota3A, %add3A_152 : vector<16xi32>
      %gather3A = arith.constant 0 : i32
      %gather3A_154 = arith.constant 0 : i32
      %gather3A_155 = arith.constant 0 : i32
      %gather3A_156 = arith.constant 0 : i32
      %gather3A_157 = tpu.memref_slice %arg6[%gather3A, %gather3A_154, %gather3A_155, %gather3A_156] : memref<3x2x64x128xf32, #tpu.memory_space<vmem>> -> memref<1x1x64x128xf32, #tpu.memory_space<vmem>>
      %gather3A_158 = tpu.memref_squeeze %gather3A_157 : memref<1x1x64x128xf32, #tpu.memory_space<vmem>> -> memref<64x128xf32, #tpu.memory_space<vmem>>
      %gather3A_159 = tpu.vector_load_idx %gather3A_158[%add3A_153, %broadcast_in_dim3A] : memref<64x128xf32, #tpu.memory_space<vmem>>[vector<16xi32>, vector<16xi32>], vector<16xf32>,
      %mul3A_160 = arith.constant 16 : i32
      %mul3A_161 = arith.muli %scan3A_9, %mul3A_160 : i32
      %add3A_162 = arith.constant 0 : i32
      %add3A_163 = arith.addi %mul3A_161, %add3A_162 : i32
      %add3A_164 = arith.constant 0 : i32
      %add3A_165 = arith.addi %add3A_163, %add3A_164 : i32
      %swap3A = arith.index_cast %add3A_165 : i32 to index
      %swap3A_166 = arith.constant 0 : index
      %swap3A_167 = tpu.vector_load %arg7[%swap3A, %swap3A_166] {strides = array<i32>} : memref<512x64xf32, #tpu.memory_space<vmem>>, vector<16xf32>,
      tpu.vector_store %arg7[%swap3A, %swap3A_166], %gather3A_159 {strides = array<i32>} : memref<512x64xf32, #tpu.memory_space<vmem>>, vector<16xf32>,
      %add3A_168 = arith.constant 16 : i32
      %add3A_169 = vector.broadcast %add3A_168 : i32 to vector<16xi32>
      %add3A_170 = arith.addi %iota3A, %add3A_169 : vector<16xi32>
      %gather3A_171 = arith.constant 0 : i32
      %gather3A_172 = arith.constant 0 : i32
      %gather3A_173 = arith.constant 0 : i32
      %gather3A_174 = arith.constant 0 : i32
      %gather3A_175 = tpu.memref_slice %arg6[%gather3A_171, %gather3A_172, %gather3A_173, %gather3A_174] : memref<3x2x64x128xf32, #tpu.memory_space<vmem>> -> memref<1x1x64x128xf32, #tpu.memory_space<vmem>>
      %gather3A_176 = tpu.memref_squeeze %gather3A_175 : memref<1x1x64x128xf32, #tpu.memory_space<vmem>> -> memref<64x128xf32, #tpu.memory_space<vmem>>
      %gather3A_177 = tpu.vector_load_idx %gather3A_176[%add3A_170, %broadcast_in_dim3A] : memref<64x128xf32, #tpu.memory_space<vmem>>[vector<16xi32>, vector<16xi32>], vector<16xf32>,
      %mul3A_178 = arith.constant 16 : i32
      %mul3A_179 = arith.muli %scan3A_9, %mul3A_178 : i32
      %add3A_180 = arith.constant 0 : i32
      %add3A_181 = arith.addi %mul3A_179, %add3A_180 : i32
      %add3A_182 = arith.constant 0 : i32
      %add3A_183 = arith.addi %add3A_181, %add3A_182 : i32
      %swap3A_184 = arith.index_cast %add3A_183 : i32 to index
      %swap3A_185 = arith.constant 16 : index
      %swap3A_186 = tpu.vector_load %arg7[%swap3A_184, %swap3A_185] {strides = array<i32>} : memref<512x64xf32, #tpu.memory_space<vmem>>, vector<16xf32>,
      tpu.vector_store %arg7[%swap3A_184, %swap3A_185], %gather3A_177 {strides = array<i32>} : memref<512x64xf32, #tpu.memory_space<vmem>>, vector<16xf32>,
      %add3A_187 = arith.constant 32 : i32
      %add3A_188 = vector.broadcast %add3A_187 : i32 to vector<16xi32>
      %add3A_189 = arith.addi %iota3A, %add3A_188 : vector<16xi32>
      %gather3A_190 = arith.constant 0 : i32
      %gather3A_191 = arith.constant 0 : i32
      %gather3A_192 = arith.constant 0 : i32
      %gather3A_193 = arith.constant 0 : i32
      %gather3A_194 = tpu.memref_slice %arg6[%gather3A_190, %gather3A_191, %gather3A_192, %gather3A_193] : memref<3x2x64x128xf32, #tpu.memory_space<vmem>> -> memref<1x1x64x128xf32, #tpu.memory_space<vmem>>
      %gather3A_195 = tpu.memref_squeeze %gather3A_194 : memref<1x1x64x128xf32, #tpu.memory_space<vmem>> -> memref<64x128xf32, #tpu.memory_space<vmem>>
      %gather3A_196 = tpu.vector_load_idx %gather3A_195[%add3A_189, %broadcast_in_dim3A] : memref<64x128xf32, #tpu.memory_space<vmem>>[vector<16xi32>, vector<16xi32>], vector<16xf32>,
      %mul3A_197 = arith.constant 16 : i32
      %mul3A_198 = arith.muli %scan3A_9, %mul3A_197 : i32
      %add3A_199 = arith.constant 0 : i32
      %add3A_200 = arith.addi %mul3A_198, %add3A_199 : i32
      %add3A_201 = arith.constant 0 : i32
      %add3A_202 = arith.addi %add3A_200, %add3A_201 : i32
      %swap3A_203 = arith.index_cast %add3A_202 : i32 to index
      %swap3A_204 = arith.constant 32 : index
      %swap3A_205 = tpu.vector_load %arg7[%swap3A_203, %swap3A_204] {strides = array<i32>} : memref<512x64xf32, #tpu.memory_space<vmem>>, vector<16xf32>,
      tpu.vector_store %arg7[%swap3A_203, %swap3A_204], %gather3A_196 {strides = array<i32>} : memref<512x64xf32, #tpu.memory_space<vmem>>, vector<16xf32>,
      %add3A_206 = arith.constant 48 : i32
      %add3A_207 = vector.broadcast %add3A_206 : i32 to vector<16xi32>
      %add3A_208 = arith.addi %iota3A, %add3A_207 : vector<16xi32>
      %gather3A_209 = arith.constant 0 : i32
      %gather3A_210 = arith.constant 0 : i32
      %gather3A_211 = arith.constant 0 : i32
      %gather3A_212 = arith.constant 0 : i32
      %gather3A_213 = tpu.memref_slice %arg6[%gather3A_209, %gather3A_210, %gather3A_211, %gather3A_212] : memref<3x2x64x128xf32, #tpu.memory_space<vmem>> -> memref<1x1x64x128xf32, #tpu.memory_space<vmem>>
      %gather3A_214 = tpu.memref_squeeze %gather3A_213 : memref<1x1x64x128xf32, #tpu.memory_space<vmem>> -> memref<64x128xf32, #tpu.memory_space<vmem>>
      %gather3A_215 = tpu.vector_load_idx %gather3A_214[%add3A_208, %broadcast_in_dim3A] : memref<64x128xf32, #tpu.memory_space<vmem>>[vector<16xi32>, vector<16xi32>], vector<16xf32>,
      %mul3A_216 = arith.constant 16 : i32
      %mul3A_217 = arith.muli %scan3A_9, %mul3A_216 : i32
      %add3A_218 = arith.constant 0 : i32
      %add3A_219 = arith.addi %mul3A_217, %add3A_218 : i32
      %add3A_220 = arith.constant 0 : i32
      %add3A_221 = arith.addi %add3A_219, %add3A_220 : i32
      %swap3A_222 = arith.index_cast %add3A_221 : i32 to index
      %swap3A_223 = arith.constant 48 : index
      %swap3A_224 = tpu.vector_load %arg7[%swap3A_222, %swap3A_223] {strides = array<i32>} : memref<512x64xf32, #tpu.memory_space<vmem>>, vector<16xf32>,
      tpu.vector_store %arg7[%swap3A_222, %swap3A_223], %gather3A_215 {strides = array<i32>} : memref<512x64xf32, #tpu.memory_space<vmem>>, vector<16xf32>,
      %slice3A_225 = vector.extract_strided_slice %and3A_19 {offsets = [1], sizes = [1], strides = [1]} : vector<16xi32> to vector<1xi32>
      %squeeze3A_226 = vector.extract %slice3A_225[0] : i32 from vector<1xi32>
      %broadcast_in_dim3A_227 = vector.broadcast %squeeze3A_226 : i32 to vector<16xi32>
      %add3A_228 = arith.constant 0 : i32
      %add3A_229 = vector.broadcast %add3A_228 : i32 to vector<16xi32>
      %add3A_230 = arith.addi %iota3A, %add3A_229 : vector<16xi32>
      %gather3A_231 = arith.constant 0 : i32
      %gather3A_232 = arith.constant 1 : i32
      %gather3A_233 = arith.constant 0 : i32
      %gather3A_234 = arith.constant 0 : i32
      %gather3A_235 = tpu.memref_slice %arg6[%gather3A_231, %gather3A_232, %gather3A_233, %gather3A_234] : memref<3x2x64x128xf32, #tpu.memory_space<vmem>> -> memref<1x1x64x128xf32, #tpu.memory_space<vmem>>
      %gather3A_236 = tpu.memref_squeeze %gather3A_235 : memref<1x1x64x128xf32, #tpu.memory_space<vmem>> -> memref<64x128xf32, #tpu.memory_space<vmem>>
      %gather3A_237 = tpu.vector_load_idx %gather3A_236[%add3A_230, %broadcast_in_dim3A_227] : memref<64x128xf32, #tpu.memory_space<vmem>>[vector<16xi32>, vector<16xi32>], vector<16xf32>,
      %mul3A_238 = arith.constant 16 : i32
      %mul3A_239 = arith.muli %scan3A_9, %mul3A_238 : i32
      %add3A_240 = arith.constant 0 : i32
      %add3A_241 = arith.addi %mul3A_239, %add3A_240 : i32
      %add3A_242 = arith.constant 1 : i32
      %add3A_243 = arith.addi %add3A_241, %add3A_242 : i32
      %swap3A_244 = arith.index_cast %add3A_243 : i32 to index
      %swap3A_245 = arith.constant 0 : index
      %swap3A_246 = tpu.vector_load %arg7[%swap3A_244, %swap3A_245] {strides = array<i32>} : memref<512x64xf32, #tpu.memory_space<vmem>>, vector<16xf32>,
      tpu.vector_store %arg7[%swap3A_244, %swap3A_245], %gather3A_237 {strides = array<i32>} : memref<512x64xf32, #tpu.memory_space<vmem>>, vector<16xf32>,
      %add3A_247 = arith.constant 16 : i32
      %add3A_248 = vector.broadcast %add3A_247 : i32 to vector<16xi32>
      %add3A_249 = arith.addi %iota3A, %add3A_248 : vector<16xi32>
      %gather3A_250 = arith.constant 0 : i32
      %gather3A_251 = arith.constant 1 : i32
      %gather3A_252 = arith.constant 0 : i32
      %gather3A_253 = arith.constant 0 : i32
      %gather3A_254 = tpu.memref_slice %arg6[%gather3A_250, %gather3A_251, %gather3A_252, %gather3A_253] : memref<3x2x64x128xf32, #tpu.memory_space<vmem>> -> memref<1x1x64x128xf32, #tpu.memory_space<vmem>>
      %gather3A_255 = tpu.memref_squeeze %gather3A_254 : memref<1x1x64x128xf32, #tpu.memory_space<vmem>> -> memref<64x128xf32, #tpu.memory_space<vmem>>
      %gather3A_256 = tpu.vector_load_idx %gather3A_255[%add3A_249, %broadcast_in_dim3A_227] : memref<64x128xf32, #tpu.memory_space<vmem>>[vector<16xi32>, vector<16xi32>], vector<16xf32>,
      %mul3A_257 = arith.constant 16 : i32
      %mul3A_258 = arith.muli %scan3A_9, %mul3A_257 : i32
      %add3A_259 = arith.constant 0 : i32
      %add3A_260 = arith.addi %mul3A_258, %add3A_259 : i32
      %add3A_261 = arith.constant 1 : i32
      %add3A_262 = arith.addi %add3A_260, %add3A_261 : i32
      %swap3A_263 = arith.index_cast %add3A_262 : i32 to index
      %swap3A_264 = arith.constant 16 : index
      %swap3A_265 = tpu.vector_load %arg7[%swap3A_263, %swap3A_264] {strides = array<i32>} : memref<512x64xf32, #tpu.memory_space<vmem>>, vector<16xf32>,
      tpu.vector_store %arg7[%swap3A_263, %swap3A_264], %gather3A_256 {strides = array<i32>} : memref<512x64xf32, #tpu.memory_space<vmem>>, vector<16xf32>,
      %add3A_266 = arith.constant 32 : i32
      %add3A_267 = vector.broadcast %add3A_266 : i32 to vector<16xi32>
      %add3A_268 = arith.addi %iota3A, %add3A_267 : vector<16xi32>
      %gather3A_269 = arith.constant 0 : i32
      %gather3A_270 = arith.constant 1 : i32
      %gather3A_271 = arith.constant 0 : i32
      %gather3A_272 = arith.constant 0 : i32
      %gather3A_273 = tpu.memref_slice %arg6[%gather3A_269, %gather3A_270, %gather3A_271, %gather3A_272] : memref<3x2x64x128xf32, #tpu.memory_space<vmem>> -> memref<1x1x64x128xf32, #tpu.memory_space<vmem>>
      %gather3A_274 = tpu.memref_squeeze %gather3A_273 : memref<1x1x64x128xf32, #tpu.memory_space<vmem>> -> memref<64x128xf32, #tpu.memory_space<vmem>>
      %gather3A_275 = tpu.vector_load_idx %gather3A_274[%add3A_268, %broadcast_in_dim3A_227] : memref<64x128xf32, #tpu.memory_space<vmem>>[vector<16xi32>, vector<16xi32>], vector<16xf32>,
      %mul3A_276 = arith.constant 16 : i32
      %mul3A_277 = arith.muli %scan3A_9, %mul3A_276 : i32
      %add3A_278 = arith.constant 0 : i32
      %add3A_279 = arith.addi %mul3A_277, %add3A_278 : i32
      %add3A_280 = arith.constant 1 : i32
      %add3A_281 = arith.addi %add3A_279, %add3A_280 : i32
      %swap3A_282 = arith.index_cast %add3A_281 : i32 to index
      %swap3A_283 = arith.constant 32 : index
      %swap3A_284 = tpu.vector_load %arg7[%swap3A_282, %swap3A_283] {strides = array<i32>} : memref<512x64xf32, #tpu.memory_space<vmem>>, vector<16xf32>,
      tpu.vector_store %arg7[%swap3A_282, %swap3A_283], %gather3A_275 {strides = array<i32>} : memref<512x64xf32, #tpu.memory_space<vmem>>, vector<16xf32>,
      %add3A_285 = arith.constant 48 : i32
      %add3A_286 = vector.broadcast %add3A_285 : i32 to vector<16xi32>
      %add3A_287 = arith.addi %iota3A, %add3A_286 : vector<16xi32>
      %gather3A_288 = arith.constant 0 : i32
      %gather3A_289 = arith.constant 1 : i32
      %gather3A_290 = arith.constant 0 : i32
      %gather3A_291 = arith.constant 0 : i32
      %gather3A_292 = tpu.memref_slice %arg6[%gather3A_288, %gather3A_289, %gather3A_290, %gather3A_291] : memref<3x2x64x128xf32, #tpu.memory_space<vmem>> -> memref<1x1x64x128xf32, #tpu.memory_space<vmem>>
      %gather3A_293 = tpu.memref_squeeze %gather3A_292 : memref<1x1x64x128xf32, #tpu.memory_space<vmem>> -> memref<64x128xf32, #tpu.memory_space<vmem>>
      %gather3A_294 = tpu.vector_load_idx %gather3A_293[%add3A_287, %broadcast_in_dim3A_227] : memref<64x128xf32, #tpu.memory_space<vmem>>[vector<16xi32>, vector<16xi32>], vector<16xf32>,
      %mul3A_295 = arith.constant 16 : i32
      %mul3A_296 = arith.muli %scan3A_9, %mul3A_295 : i32
      %add3A_297 = arith.constant 0 : i32
      %add3A_298 = arith.addi %mul3A_296, %add3A_297 : i32
      %add3A_299 = arith.constant 1 : i32
      %add3A_300 = arith.addi %add3A_298, %add3A_299 : i32
      %swap3A_301 = arith.index_cast %add3A_300 : i32 to index
      %swap3A_302 = arith.constant 48 : index
      %swap3A_303 = tpu.vector_load %arg7[%swap3A_301, %swap3A_302] {strides = array<i32>} : memref<512x64xf32, #tpu.memory_space<vmem>>, vector<16xf32>,
      tpu.vector_store %arg7[%swap3A_301, %swap3A_302], %gather3A_294 {strides = array<i32>} : memref<512x64xf32, #tpu.memory_space<vmem>>, vector<16xf32>,
      %slice3A_304 = vector.extract_strided_slice %shift_left3A_17 {offsets = [6], sizes = [1], strides = [1]} : vector<16xi32> to vector<1xi32>
      %squeeze3A_305 = vector.extract %slice3A_304[0] : i32 from vector<1xi32>
      %multiple_of3A_306 = tpu.assume_multiple %squeeze3A_305, 128 : i32
      %dma_start3A_307 = arith.constant 0 : i32
      %dma_start3A_308 = arith.constant 0 : i32
      %dma_start3A_309 = arith.constant 0 : i32
      %dma_start3A_310 = arith.constant 0 : i32
      %dma_start3A_311 = tpu.memref_slice %arg6[%dma_start3A_307, %dma_start3A_308, %dma_start3A_309, %dma_start3A_310] : memref<3x2x64x128xf32, #tpu.memory_space<vmem>> -> memref<1x1x64x128xf32, #tpu.memory_space<vmem>>
      %dma_start3A_312 = tpu.memref_squeeze %dma_start3A_311 : memref<1x1x64x128xf32, #tpu.memory_space<vmem>> -> memref<64x128xf32, #tpu.memory_space<vmem>>
      %dma_start3A_313 = arith.constant 0 : i32
      %dma_start3A_314 = tpu.memref_slice %arg2[%dma_start3A_313, %multiple_of3A_306] : memref<64x1000000xf32, #tpu.memory_space<hbm>> -> memref<64x128xf32, #tpu.memory_space<hbm>>
      %dma_start3A_315 = arith.constant 0 : i32
      %dma_start3A_316 = arith.constant 0 : i32
      %dma_start3A_317 = tpu.memref_slice %arg6[%dma_start3A_307, %dma_start3A_308, %dma_start3A_315, %dma_start3A_316] : memref<3x2x64x128xf32, #tpu.memory_space<vmem>> -> memref<1x1x64x128xf32, #tpu.memory_space<vmem>>
      %dma_start3A_318 = tpu.memref_squeeze %dma_start3A_317 : memref<1x1x64x128xf32, #tpu.memory_space<vmem>> -> memref<64x128xf32, #tpu.memory_space<vmem>>
      %dma_start3A_319 = arith.constant 0 : i32
      %dma_start3A_320 = tpu.memref_slice %arg2[%dma_start3A_319, %multiple_of3A_306] : memref<64x1000000xf32, #tpu.memory_space<hbm>> -> memref<64x128xf32, #tpu.memory_space<hbm>>
      tpu.enqueue_dma source(%dma_start3A_320 : memref<64x128xf32, #tpu.memory_space<hbm>>) target(%dma_start3A_318 : memref<64x128xf32, #tpu.memory_space<vmem>>) target_semaphore(%arg8 : memref<!tpu.dma_semaphore, #tpu.memory_space<semaphore_mem>>)
      %slice3A_321 = vector.extract_strided_slice %shift_left3A_17 {offsets = [7], sizes = [1], strides = [1]} : vector<16xi32> to vector<1xi32>
      %squeeze3A_322 = vector.extract %slice3A_321[0] : i32 from vector<1xi32>
      %multiple_of3A_323 = tpu.assume_multiple %squeeze3A_322, 128 : i32
      %dma_start3A_324 = arith.constant 0 : i32
      %dma_start3A_325 = arith.constant 1 : i32
      %dma_start3A_326 = arith.constant 0 : i32
      %dma_start3A_327 = arith.constant 0 : i32
      %dma_start3A_328 = tpu.memref_slice %arg6[%dma_start3A_324, %dma_start3A_325, %dma_start3A_326, %dma_start3A_327] : memref<3x2x64x128xf32, #tpu.memory_space<vmem>> -> memref<1x1x64x128xf32, #tpu.memory_space<vmem>>
      %dma_start3A_329 = tpu.memref_squeeze %dma_start3A_328 : memref<1x1x64x128xf32, #tpu.memory_space<vmem>> -> memref<64x128xf32, #tpu.memory_space<vmem>>
      %dma_start3A_330 = arith.constant 0 : i32
      %dma_start3A_331 = tpu.memref_slice %arg2[%dma_start3A_330, %multiple_of3A_323] : memref<64x1000000xf32, #tpu.memory_space<hbm>> -> memref<64x128xf32, #tpu.memory_space<hbm>>
      %dma_start3A_332 = arith.constant 0 : i32
      %dma_start3A_333 = arith.constant 0 : i32
      %dma_start3A_334 = tpu.memref_slice %arg6[%dma_start3A_324, %dma_start3A_325, %dma_start3A_332, %dma_start3A_333] : memref<3x2x64x128xf32, #tpu.memory_space<vmem>> -> memref<1x1x64x128xf32, #tpu.memory_space<vmem>>
      %dma_start3A_335 = tpu.memref_squeeze %dma_start3A_334 : memref<1x1x64x128xf32, #tpu.memory_space<vmem>> -> memref<64x128xf32, #tpu.memory_space<vmem>>
      %dma_start3A_336 = arith.constant 0 : i32
      %dma_start3A_337 = tpu.memref_slice %arg2[%dma_start3A_336, %multiple_of3A_323] : memref<64x1000000xf32, #tpu.memory_space<hbm>> -> memref<64x128xf32, #tpu.memory_space<hbm>>
      tpu.enqueue_dma source(%dma_start3A_337 : memref<64x128xf32, #tpu.memory_space<hbm>>) target(%dma_start3A_335 : memref<64x128xf32, #tpu.memory_space<vmem>>) target_semaphore(%arg8 : memref<!tpu.dma_semaphore, #tpu.memory_space<semaphore_mem>>)
      %dma_wait3A_338 = arith.constant 0 : i32
      %dma_wait3A_339 = arith.constant 0 : i32
      %dma_wait3A_340 = arith.constant 0 : i32
      %dma_wait3A_341 = arith.constant 0 : i32
      %dma_wait3A_342 = tpu.memref_slice %arg6[%dma_wait3A_338, %dma_wait3A_339, %dma_wait3A_340, %dma_wait3A_341] : memref<3x2x64x128xf32, #tpu.memory_space<vmem>> -> memref<1x1x64x128xf32, #tpu.memory_space<vmem>>
      %dma_wait3A_343 = tpu.memref_squeeze %dma_wait3A_342 : memref<1x1x64x128xf32, #tpu.memory_space<vmem>> -> memref<64x128xf32, #tpu.memory_space<vmem>>
      %dma_wait3A_344 = arith.constant 0 : i32
      %dma_wait3A_345 = arith.constant 0 : i32
      %dma_wait3A_346 = tpu.memref_slice %arg2[%dma_wait3A_344, %dma_wait3A_345] : memref<64x1000000xf32, #tpu.memory_space<hbm>> -> memref<64x128xf32, #tpu.memory_space<hbm>>
      %dma_wait3A_347 = arith.constant 0 : i32
      %dma_wait3A_348 = arith.constant 0 : i32
      %dma_wait3A_349 = tpu.memref_slice %arg6[%dma_wait3A_338, %dma_wait3A_339, %dma_wait3A_347, %dma_wait3A_348] : memref<3x2x64x128xf32, #tpu.memory_space<vmem>> -> memref<1x1x64x128xf32, #tpu.memory_space<vmem>>
      %dma_wait3A_350 = tpu.memref_squeeze %dma_wait3A_349 : memref<1x1x64x128xf32, #tpu.memory_space<vmem>> -> memref<64x128xf32, #tpu.memory_space<vmem>>
      %dma_wait3A_351 = arith.constant 0 : i32
      %dma_wait3A_352 = arith.constant 0 : i32
      %dma_wait3A_353 = tpu.memref_slice %arg2[%dma_wait3A_351, %dma_wait3A_352] : memref<64x1000000xf32, #tpu.memory_space<hbm>> -> memref<64x128xf32, #tpu.memory_space<hbm>>
      tpu.wait_dma2 semaphore(%arg8 : memref<!tpu.dma_semaphore, #tpu.memory_space<semaphore_mem>>) src(%dma_wait3A_353 : memref<64x128xf32, #tpu.memory_space<hbm>>) dst(%dma_wait3A_350 : memref<64x128xf32, #tpu.memory_space<vmem>>)
      %dma_wait3A_354 = arith.constant 0 : i32
      %dma_wait3A_355 = arith.constant 1 : i32
      %dma_wait3A_356 = arith.constant 0 : i32
      %dma_wait3A_357 = arith.constant 0 : i32
      %dma_wait3A_358 = tpu.memref_slice %arg6[%dma_wait3A_354, %dma_wait3A_355, %dma_wait3A_356, %dma_wait3A_357] : memref<3x2x64x128xf32, #tpu.memory_space<vmem>> -> memref<1x1x64x128xf32, #tpu.memory_space<vmem>>
      %dma_wait3A_359 = tpu.memref_squeeze %dma_wait3A_358 : memref<1x1x64x128xf32, #tpu.memory_space<vmem>> -> memref<64x128xf32, #tpu.memory_space<vmem>>
      %dma_wait3A_360 = arith.constant 0 : i32
      %dma_wait3A_361 = arith.constant 0 : i32
      %dma_wait3A_362 = tpu.memref_slice %arg2[%dma_wait3A_360, %dma_wait3A_361] : memref<64x1000000xf32, #tpu.memory_space<hbm>> -> memref<64x128xf32, #tpu.memory_space<hbm>>
      %dma_wait3A_363 = arith.constant 0 : i32
      %dma_wait3A_364 = arith.constant 0 : i32
      %dma_wait3A_365 = tpu.memref_slice %arg6[%dma_wait3A_354, %dma_wait3A_355, %dma_wait3A_363, %dma_wait3A_364] : memref<3x2x64x128xf32, #tpu.memory_space<vmem>> -> memref<1x1x64x128xf32, #tpu.memory_space<vmem>>
      %dma_wait3A_366 = tpu.memref_squeeze %dma_wait3A_365 : memref<1x1x64x128xf32, #tpu.memory_space<vmem>> -> memref<64x128xf32, #tpu.memory_space<vmem>>
      %dma_wait3A_367 = arith.constant 0 : i32
      %dma_wait3A_368 = arith.constant 0 : i32
      %dma_wait3A_369 = tpu.memref_slice %arg2[%dma_wait3A_367, %dma_wait3A_368] : memref<64x1000000xf32, #tpu.memory_space<hbm>> -> memref<64x128xf32, #tpu.memory_space<hbm>>
      tpu.wait_dma2 semaphore(%arg8 : memref<!tpu.dma_semaphore, #tpu.memory_space<semaphore_mem>>) src(%dma_wait3A_369 : memref<64x128xf32, #tpu.memory_space<hbm>>) dst(%dma_wait3A_366 : memref<64x128xf32, #tpu.memory_space<vmem>>)
      %slice3A_370 = vector.extract_strided_slice %and3A_19 {offsets = [2], sizes = [1], strides = [1]} : vector<16xi32> to vector<1xi32>
      %squeeze3A_371 = vector.extract %slice3A_370[0] : i32 from vector<1xi32>
      %broadcast_in_dim3A_372 = vector.broadcast %squeeze3A_371 : i32 to vector<16xi32>
      %add3A_373 = arith.constant 0 : i32
      %add3A_374 = vector.broadcast %add3A_373 : i32 to vector<16xi32>
      %add3A_375 = arith.addi %iota3A, %add3A_374 : vector<16xi32>
      %gather3A_376 = arith.constant 1 : i32
      %gather3A_377 = arith.constant 0 : i32
      %gather3A_378 = arith.constant 0 : i32
      %gather3A_379 = arith.constant 0 : i32
      %gather3A_380 = tpu.memref_slice %arg6[%gather3A_376, %gather3A_377, %gather3A_378, %gather3A_379] : memref<3x2x64x128xf32, #tpu.memory_space<vmem>> -> memref<1x1x64x128xf32, #tpu.memory_space<vmem>>
      %gather3A_381 = tpu.memref_squeeze %gather3A_380 : memref<1x1x64x128xf32, #tpu.memory_space<vmem>> -> memref<64x128xf32, #tpu.memory_space<vmem>>
      %gather3A_382 = tpu.vector_load_idx %gather3A_381[%add3A_375, %broadcast_in_dim3A_372] : memref<64x128xf32, #tpu.memory_space<vmem>>[vector<16xi32>, vector<16xi32>], vector<16xf32>,
      %mul3A_383 = arith.constant 16 : i32
      %mul3A_384 = arith.muli %scan3A_9, %mul3A_383 : i32
      %add3A_385 = arith.constant 2 : i32
      %add3A_386 = arith.addi %mul3A_384, %add3A_385 : i32
      %add3A_387 = arith.constant 0 : i32
      %add3A_388 = arith.addi %add3A_386, %add3A_387 : i32
      %swap3A_389 = arith.index_cast %add3A_388 : i32 to index
      %swap3A_390 = arith.constant 0 : index
      %swap3A_391 = tpu.vector_load %arg7[%swap3A_389, %swap3A_390] {strides = array<i32>} : memref<512x64xf32, #tpu.memory_space<vmem>>, vector<16xf32>,
      tpu.vector_store %arg7[%swap3A_389, %swap3A_390], %gather3A_382 {strides = array<i32>} : memref<512x64xf32, #tpu.memory_space<vmem>>, vector<16xf32>,
      %add3A_392 = arith.constant 16 : i32
      %add3A_393 = vector.broadcast %add3A_392 : i32 to vector<16xi32>
      %add3A_394 = arith.addi %iota3A, %add3A_393 : vector<16xi32>
      %gather3A_395 = arith.constant 1 : i32
      %gather3A_396 = arith.constant 0 : i32
      %gather3A_397 = arith.constant 0 : i32
      %gather3A_398 = arith.constant 0 : i32
      %gather3A_399 = tpu.memref_slice %arg6[%gather3A_395, %gather3A_396, %gather3A_397, %gather3A_398] : memref<3x2x64x128xf32, #tpu.memory_space<vmem>> -> memref<1x1x64x128xf32, #tpu.memory_space<vmem>>
      %gather3A_400 = tpu.memref_squeeze %gather3A_399 : memref<1x1x64x128xf32, #tpu.memory_space<vmem>> -> memref<64x128xf32, #tpu.memory_space<vmem>>
      %gather3A_401 = tpu.vector_load_idx %gather3A_400[%add3A_394, %broadcast_in_dim3A_372] : memref<64x128xf32, #tpu.memory_space<vmem>>[vector<16xi32>, vector<16xi32>], vector<16xf32>,
      %mul3A_402 = arith.constant 16 : i32
      %mul3A_403 = arith.muli %scan3A_9, %mul3A_402 : i32
      %add3A_404 = arith.constant 2 : i32
      %add3A_405 = arith.addi %mul3A_403, %add3A_404 : i32
      %add3A_406 = arith.constant 0 : i32
      %add3A_407 = arith.addi %add3A_405, %add3A_406 : i32
      %swap3A_408 = arith.index_cast %add3A_407 : i32 to index
      %swap3A_409 = arith.constant 16 : index
      %swap3A_410 = tpu.vector_load %arg7[%swap3A_408, %swap3A_409] {strides = array<i32>} : memref<512x64xf32, #tpu.memory_space<vmem>>, vector<16xf32>,
      tpu.vector_store %arg7[%swap3A_408, %swap3A_409], %gather3A_401 {strides = array<i32>} : memref<512x64xf32, #tpu.memory_space<vmem>>, vector<16xf32>,
      %add3A_411 = arith.constant 32 : i32
      %add3A_412 = vector.broadcast %add3A_411 : i32 to vector<16xi32>
      %add3A_413 = arith.addi %iota3A, %add3A_412 : vector<16xi32>
      %gather3A_414 = arith.constant 1 : i32
      %gather3A_415 = arith.constant 0 : i32
      %gather3A_416 = arith.constant 0 : i32
      %gather3A_417 = arith.constant 0 : i32
      %gather3A_418 = tpu.memref_slice %arg6[%gather3A_414, %gather3A_415, %gather3A_416, %gather3A_417] : memref<3x2x64x128xf32, #tpu.memory_space<vmem>> -> memref<1x1x64x128xf32, #tpu.memory_space<vmem>>
      %gather3A_419 = tpu.memref_squeeze %gather3A_418 : memref<1x1x64x128xf32, #tpu.memory_space<vmem>> -> memref<64x128xf32, #tpu.memory_space<vmem>>
      %gather3A_420 = tpu.vector_load_idx %gather3A_419[%add3A_413, %broadcast_in_dim3A_372] : memref<64x128xf32, #tpu.memory_space<vmem>>[vector<16xi32>, vector<16xi32>], vector<16xf32>,
      %mul3A_421 = arith.constant 16 : i32
      %mul3A_422 = arith.muli %scan3A_9, %mul3A_421 : i32
      %add3A_423 = arith.constant 2 : i32
      %add3A_424 = arith.addi %mul3A_422, %add3A_423 : i32
      %add3A_425 = arith.constant 0 : i32
      %add3A_426 = arith.addi %add3A_424, %add3A_425 : i32
      %swap3A_427 = arith.index_cast %add3A_426 : i32 to index
      %swap3A_428 = arith.constant 32 : index
      %swap3A_429 = tpu.vector_load %arg7[%swap3A_427, %swap3A_428] {strides = array<i32>} : memref<512x64xf32, #tpu.memory_space<vmem>>, vector<16xf32>,
      tpu.vector_store %arg7[%swap3A_427, %swap3A_428], %gather3A_420 {strides = array<i32>} : memref<512x64xf32, #tpu.memory_space<vmem>>, vector<16xf32>,
      %add3A_430 = arith.constant 48 : i32
      %add3A_431 = vector.broadcast %add3A_430 : i32 to vector<16xi32>
      %add3A_432 = arith.addi %iota3A, %add3A_431 : vector<16xi32>
      %gather3A_433 = arith.constant 1 : i32
      %gather3A_434 = arith.constant 0 : i32
      %gather3A_435 = arith.constant 0 : i32
      %gather3A_436 = arith.constant 0 : i32
      %gather3A_437 = tpu.memref_slice %arg6[%gather3A_433, %gather3A_434, %gather3A_435, %gather3A_436] : memref<3x2x64x128xf32, #tpu.memory_space<vmem>> -> memref<1x1x64x128xf32, #tpu.memory_space<vmem>>
      %gather3A_438 = tpu.memref_squeeze %gather3A_437 : memref<1x1x64x128xf32, #tpu.memory_space<vmem>> -> memref<64x128xf32, #tpu.memory_space<vmem>>
      %gather3A_439 = tpu.vector_load_idx %gather3A_438[%add3A_432, %broadcast_in_dim3A_372] : memref<64x128xf32, #tpu.memory_space<vmem>>[vector<16xi32>, vector<16xi32>], vector<16xf32>,
      %mul3A_440 = arith.constant 16 : i32
      %mul3A_441 = arith.muli %scan3A_9, %mul3A_440 : i32
      %add3A_442 = arith.constant 2 : i32
      %add3A_443 = arith.addi %mul3A_441, %add3A_442 : i32
      %add3A_444 = arith.constant 0 : i32
      %add3A_445 = arith.addi %add3A_443, %add3A_444 : i32
      %swap3A_446 = arith.index_cast %add3A_445 : i32 to index
      %swap3A_447 = arith.constant 48 : index
      %swap3A_448 = tpu.vector_load %arg7[%swap3A_446, %swap3A_447] {strides = array<i32>} : memref<512x64xf32, #tpu.memory_space<vmem>>, vector<16xf32>,
      tpu.vector_store %arg7[%swap3A_446, %swap3A_447], %gather3A_439 {strides = array<i32>} : memref<512x64xf32, #tpu.memory_space<vmem>>, vector<16xf32>,
      %slice3A_449 = vector.extract_strided_slice %and3A_19 {offsets = [3], sizes = [1], strides = [1]} : vector<16xi32> to vector<1xi32>
      %squeeze3A_450 = vector.extract %slice3A_449[0] : i32 from vector<1xi32>
      %broadcast_in_dim3A_451 = vector.broadcast %squeeze3A_450 : i32 to vector<16xi32>
      %add3A_452 = arith.constant 0 : i32
      %add3A_453 = vector.broadcast %add3A_452 : i32 to vector<16xi32>
      %add3A_454 = arith.addi %iota3A, %add3A_453 : vector<16xi32>
      %gather3A_455 = arith.constant 1 : i32
      %gather3A_456 = arith.constant 1 : i32
      %gather3A_457 = arith.constant 0 : i32
      %gather3A_458 = arith.constant 0 : i32
      %gather3A_459 = tpu.memref_slice %arg6[%gather3A_455, %gather3A_456, %gather3A_457, %gather3A_458] : memref<3x2x64x128xf32, #tpu.memory_space<vmem>> -> memref<1x1x64x128xf32, #tpu.memory_space<vmem>>
      %gather3A_460 = tpu.memref_squeeze %gather3A_459 : memref<1x1x64x128xf32, #tpu.memory_space<vmem>> -> memref<64x128xf32, #tpu.memory_space<vmem>>
      %gather3A_461 = tpu.vector_load_idx %gather3A_460[%add3A_454, %broadcast_in_dim3A_451] : memref<64x128xf32, #tpu.memory_space<vmem>>[vector<16xi32>, vector<16xi32>], vector<16xf32>,
      %mul3A_462 = arith.constant 16 : i32
      %mul3A_463 = arith.muli %scan3A_9, %mul3A_462 : i32
      %add3A_464 = arith.constant 2 : i32
      %add3A_465 = arith.addi %mul3A_463, %add3A_464 : i32
      %add3A_466 = arith.constant 1 : i32
      %add3A_467 = arith.addi %add3A_465, %add3A_466 : i32
      %swap3A_468 = arith.index_cast %add3A_467 : i32 to index
      %swap3A_469 = arith.constant 0 : index
      %swap3A_470 = tpu.vector_load %arg7[%swap3A_468, %swap3A_469] {strides = array<i32>} : memref<512x64xf32, #tpu.memory_space<vmem>>, vector<16xf32>,
      tpu.vector_store %arg7[%swap3A_468, %swap3A_469], %gather3A_461 {strides = array<i32>} : memref<512x64xf32, #tpu.memory_space<vmem>>, vector<16xf32>,
      %add3A_471 = arith.constant 16 : i32
      %add3A_472 = vector.broadcast %add3A_471 : i32 to vector<16xi32>
      %add3A_473 = arith.addi %iota3A, %add3A_472 : vector<16xi32>
      %gather3A_474 = arith.constant 1 : i32
      %gather3A_475 = arith.constant 1 : i32
      %gather3A_476 = arith.constant 0 : i32
      %gather3A_477 = arith.constant 0 : i32
      %gather3A_478 = tpu.memref_slice %arg6[%gather3A_474, %gather3A_475, %gather3A_476, %gather3A_477] : memref<3x2x64x128xf32, #tpu.memory_space<vmem>> -> memref<1x1x64x128xf32, #tpu.memory_space<vmem>>
      %gather3A_479 = tpu.memref_squeeze %gather3A_478 : memref<1x1x64x128xf32, #tpu.memory_space<vmem>> -> memref<64x128xf32, #tpu.memory_space<vmem>>
      %gather3A_480 = tpu.vector_load_idx %gather3A_479[%add3A_473, %broadcast_in_dim3A_451] : memref<64x128xf32, #tpu.memory_space<vmem>>[vector<16xi32>, vector<16xi32>], vector<16xf32>,
      %mul3A_481 = arith.constant 16 : i32
      %mul3A_482 = arith.muli %scan3A_9, %mul3A_481 : i32
      %add3A_483 = arith.constant 2 : i32
      %add3A_484 = arith.addi %mul3A_482, %add3A_483 : i32
      %add3A_485 = arith.constant 1 : i32
      %add3A_486 = arith.addi %add3A_484, %add3A_485 : i32
      %swap3A_487 = arith.index_cast %add3A_486 : i32 to index
      %swap3A_488 = arith.constant 16 : index
      %swap3A_489 = tpu.vector_load %arg7[%swap3A_487, %swap3A_488] {strides = array<i32>} : memref<512x64xf32, #tpu.memory_space<vmem>>, vector<16xf32>,
      tpu.vector_store %arg7[%swap3A_487, %swap3A_488], %gather3A_480 {strides = array<i32>} : memref<512x64xf32, #tpu.memory_space<vmem>>, vector<16xf32>,
      %add3A_490 = arith.constant 32 : i32
      %add3A_491 = vector.broadcast %add3A_490 : i32 to vector<16xi32>
      %add3A_492 = arith.addi %iota3A, %add3A_491 : vector<16xi32>
      %gather3A_493 = arith.constant 1 : i32
      %gather3A_494 = arith.constant 1 : i32
      %gather3A_495 = arith.constant 0 : i32
      %gather3A_496 = arith.constant 0 : i32
      %gather3A_497 = tpu.memref_slice %arg6[%gather3A_493, %gather3A_494, %gather3A_495, %gather3A_496] : memref<3x2x64x128xf32, #tpu.memory_space<vmem>> -> memref<1x1x64x128xf32, #tpu.memory_space<vmem>>
      %gather3A_498 = tpu.memref_squeeze %gather3A_497 : memref<1x1x64x128xf32, #tpu.memory_space<vmem>> -> memref<64x128xf32, #tpu.memory_space<vmem>>
      %gather3A_499 = tpu.vector_load_idx %gather3A_498[%add3A_492, %broadcast_in_dim3A_451] : memref<64x128xf32, #tpu.memory_space<vmem>>[vector<16xi32>, vector<16xi32>], vector<16xf32>,
      %mul3A_500 = arith.constant 16 : i32
      %mul3A_501 = arith.muli %scan3A_9, %mul3A_500 : i32
      %add3A_502 = arith.constant 2 : i32
      %add3A_503 = arith.addi %mul3A_501, %add3A_502 : i32
      %add3A_504 = arith.constant 1 : i32
      %add3A_505 = arith.addi %add3A_503, %add3A_504 : i32
      %swap3A_506 = arith.index_cast %add3A_505 : i32 to index
      %swap3A_507 = arith.constant 32 : index
      %swap3A_508 = tpu.vector_load %arg7[%swap3A_506, %swap3A_507] {strides = array<i32>} : memref<512x64xf32, #tpu.memory_space<vmem>>, vector<16xf32>,
      tpu.vector_store %arg7[%swap3A_506, %swap3A_507], %gather3A_499 {strides = array<i32>} : memref<512x64xf32, #tpu.memory_space<vmem>>, vector<16xf32>,
      %add3A_509 = arith.constant 48 : i32
      %add3A_510 = vector.broadcast %add3A_509 : i32 to vector<16xi32>
      %add3A_511 = arith.addi %iota3A, %add3A_510 : vector<16xi32>
      %gather3A_512 = arith.constant 1 : i32
      %gather3A_513 = arith.constant 1 : i32
      %gather3A_514 = arith.constant 0 : i32
      %gather3A_515 = arith.constant 0 : i32
      %gather3A_516 = tpu.memref_slice %arg6[%gather3A_512, %gather3A_513, %gather3A_514, %gather3A_515] : memref<3x2x64x128xf32, #tpu.memory_space<vmem>> -> memref<1x1x64x128xf32, #tpu.memory_space<vmem>>
      %gather3A_517 = tpu.memref_squeeze %gather3A_516 : memref<1x1x64x128xf32, #tpu.memory_space<vmem>> -> memref<64x128xf32, #tpu.memory_space<vmem>>
      %gather3A_518 = tpu.vector_load_idx %gather3A_517[%add3A_511, %broadcast_in_dim3A_451] : memref<64x128xf32, #tpu.memory_space<vmem>>[vector<16xi32>, vector<16xi32>], vector<16xf32>,
      %mul3A_519 = arith.constant 16 : i32
      %mul3A_520 = arith.muli %scan3A_9, %mul3A_519 : i32
      %add3A_521 = arith.constant 2 : i32
      %add3A_522 = arith.addi %mul3A_520, %add3A_521 : i32
      %add3A_523 = arith.constant 1 : i32
      %add3A_524 = arith.addi %add3A_522, %add3A_523 : i32
      %swap3A_525 = arith.index_cast %add3A_524 : i32 to index
      %swap3A_526 = arith.constant 48 : index
      %swap3A_527 = tpu.vector_load %arg7[%swap3A_525, %swap3A_526] {strides = array<i32>} : memref<512x64xf32, #tpu.memory_space<vmem>>, vector<16xf32>,
      tpu.vector_store %arg7[%swap3A_525, %swap3A_526], %gather3A_518 {strides = array<i32>} : memref<512x64xf32, #tpu.memory_space<vmem>>, vector<16xf32>,
      %slice3A_528 = vector.extract_strided_slice %shift_left3A_17 {offsets = [8], sizes = [1], strides = [1]} : vector<16xi32> to vector<1xi32>
      %squeeze3A_529 = vector.extract %slice3A_528[0] : i32 from vector<1xi32>
      %multiple_of3A_530 = tpu.assume_multiple %squeeze3A_529, 128 : i32
      %dma_start3A_531 = arith.constant 1 : i32
      %dma_start3A_532 = arith.constant 0 : i32
      %dma_start3A_533 = arith.constant 0 : i32
      %dma_start3A_534 = arith.constant 0 : i32
      %dma_start3A_535 = tpu.memref_slice %arg6[%dma_start3A_531, %dma_start3A_532, %dma_start3A_533, %dma_start3A_534] : memref<3x2x64x128xf32, #tpu.memory_space<vmem>> -> memref<1x1x64x128xf32, #tpu.memory_space<vmem>>
      %dma_start3A_536 = tpu.memref_squeeze %dma_start3A_535 : memref<1x1x64x128xf32, #tpu.memory_space<vmem>> -> memref<64x128xf32, #tpu.memory_space<vmem>>
      %dma_start3A_537 = arith.constant 0 : i32
      %dma_start3A_538 = tpu.memref_slice %arg2[%dma_start3A_537, %multiple_of3A_530] : memref<64x1000000xf32, #tpu.memory_space<hbm>> -> memref<64x128xf32, #tpu.memory_space<hbm>>
      %dma_start3A_539 = arith.constant 0 : i32
      %dma_start3A_540 = arith.constant 0 : i32
      %dma_start3A_541 = tpu.memref_slice %arg6[%dma_start3A_531, %dma_start3A_532, %dma_start3A_539, %dma_start3A_540] : memref<3x2x64x128xf32, #tpu.memory_space<vmem>> -> memref<1x1x64x128xf32, #tpu.memory_space<vmem>>
      %dma_start3A_542 = tpu.memref_squeeze %dma_start3A_541 : memref<1x1x64x128xf32, #tpu.memory_space<vmem>> -> memref<64x128xf32, #tpu.memory_space<vmem>>
      %dma_start3A_543 = arith.constant 0 : i32
      %dma_start3A_544 = tpu.memref_slice %arg2[%dma_start3A_543, %multiple_of3A_530] : memref<64x1000000xf32, #tpu.memory_space<hbm>> -> memref<64x128xf32, #tpu.memory_space<hbm>>
      tpu.enqueue_dma source(%dma_start3A_544 : memref<64x128xf32, #tpu.memory_space<hbm>>) target(%dma_start3A_542 : memref<64x128xf32, #tpu.memory_space<vmem>>) target_semaphore(%arg8 : memref<!tpu.dma_semaphore, #tpu.memory_space<semaphore_mem>>)
      %slice3A_545 = vector.extract_strided_slice %shift_left3A_17 {offsets = [9], sizes = [1], strides = [1]} : vector<16xi32> to vector<1xi32>
      %squeeze3A_546 = vector.extract %slice3A_545[0] : i32 from vector<1xi32>
      %multiple_of3A_547 = tpu.assume_multiple %squeeze3A_546, 128 : i32
      %dma_start3A_548 = arith.constant 1 : i32
      %dma_start3A_549 = arith.constant 1 : i32
      %dma_start3A_550 = arith.constant 0 : i32
      %dma_start3A_551 = arith.constant 0 : i32
      %dma_start3A_552 = tpu.memref_slice %arg6[%dma_start3A_548, %dma_start3A_549, %dma_start3A_550, %dma_start3A_551] : memref<3x2x64x128xf32, #tpu.memory_space<vmem>> -> memref<1x1x64x128xf32, #tpu.memory_space<vmem>>
      %dma_start3A_553 = tpu.memref_squeeze %dma_start3A_552 : memref<1x1x64x128xf32, #tpu.memory_space<vmem>> -> memref<64x128xf32, #tpu.memory_space<vmem>>
      %dma_start3A_554 = arith.constant 0 : i32
      %dma_start3A_555 = tpu.memref_slice %arg2[%dma_start3A_554, %multiple_of3A_547] : memref<64x1000000xf32, #tpu.memory_space<hbm>> -> memref<64x128xf32, #tpu.memory_space<hbm>>
      %dma_start3A_556 = arith.constant 0 : i32
      %dma_start3A_557 = arith.constant 0 : i32
      %dma_start3A_558 = tpu.memref_slice %arg6[%dma_start3A_548, %dma_start3A_549, %dma_start3A_556, %dma_start3A_557] : memref<3x2x64x128xf32, #tpu.memory_space<vmem>> -> memref<1x1x64x128xf32, #tpu.memory_space<vmem>>
      %dma_start3A_559 = tpu.memref_squeeze %dma_start3A_558 : memref<1x1x64x128xf32, #tpu.memory_space<vmem>> -> memref<64x128xf32, #tpu.memory_space<vmem>>
      %dma_start3A_560 = arith.constant 0 : i32
      %dma_start3A_561 = tpu.memref_slice %arg2[%dma_start3A_560, %multiple_of3A_547] : memref<64x1000000xf32, #tpu.memory_space<hbm>> -> memref<64x128xf32, #tpu.memory_space<hbm>>
      tpu.enqueue_dma source(%dma_start3A_561 : memref<64x128xf32, #tpu.memory_space<hbm>>) target(%dma_start3A_559 : memref<64x128xf32, #tpu.memory_space<vmem>>) target_semaphore(%arg8 : memref<!tpu.dma_semaphore, #tpu.memory_space<semaphore_mem>>)
      %dma_wait3A_562 = arith.constant 0 : i32
      %dma_wait3A_563 = arith.constant 0 : i32
      %dma_wait3A_564 = arith.constant 0 : i32
      %dma_wait3A_565 = arith.constant 0 : i32
      %dma_wait3A_566 = tpu.memref_slice %arg6[%dma_wait3A_562, %dma_wait3A_563, %dma_wait3A_564, %dma_wait3A_565] : memref<3x2x64x128xf32, #tpu.memory_space<vmem>> -> memref<1x1x64x128xf32, #tpu.memory_space<vmem>>
      %dma_wait3A_567 = tpu.memref_squeeze %dma_wait3A_566 : memref<1x1x64x128xf32, #tpu.memory_space<vmem>> -> memref<64x128xf32, #tpu.memory_space<vmem>>
      %dma_wait3A_568 = arith.constant 0 : i32
      %dma_wait3A_569 = arith.constant 0 : i32
      %dma_wait3A_570 = tpu.memref_slice %arg2[%dma_wait3A_568, %dma_wait3A_569] : memref<64x1000000xf32, #tpu.memory_space<hbm>> -> memref<64x128xf32, #tpu.memory_space<hbm>>
      %dma_wait3A_571 = arith.constant 0 : i32
      %dma_wait3A_572 = arith.constant 0 : i32
      %dma_wait3A_573 = tpu.memref_slice %arg6[%dma_wait3A_562, %dma_wait3A_563, %dma_wait3A_571, %dma_wait3A_572] : memref<3x2x64x128xf32, #tpu.memory_space<vmem>> -> memref<1x1x64x128xf32, #tpu.memory_space<vmem>>
      %dma_wait3A_574 = tpu.memref_squeeze %dma_wait3A_573 : memref<1x1x64x128xf32, #tpu.memory_space<vmem>> -> memref<64x128xf32, #tpu.memory_space<vmem>>
      %dma_wait3A_575 = arith.constant 0 : i32
      %dma_wait3A_576 = arith.constant 0 : i32
      %dma_wait3A_577 = tpu.memref_slice %arg2[%dma_wait3A_575, %dma_wait3A_576] : memref<64x1000000xf32, #tpu.memory_space<hbm>> -> memref<64x128xf32, #tpu.memory_space<hbm>>
      tpu.wait_dma2 semaphore(%arg8 : memref<!tpu.dma_semaphore, #tpu.memory_space<semaphore_mem>>) src(%dma_wait3A_577 : memref<64x128xf32, #tpu.memory_space<hbm>>) dst(%dma_wait3A_574 : memref<64x128xf32, #tpu.memory_space<vmem>>)
      %dma_wait3A_578 = arith.constant 0 : i32
      %dma_wait3A_579 = arith.constant 1 : i32
      %dma_wait3A_580 = arith.constant 0 : i32
      %dma_wait3A_581 = arith.constant 0 : i32
      %dma_wait3A_582 = tpu.memref_slice %arg6[%dma_wait3A_578, %dma_wait3A_579, %dma_wait3A_580, %dma_wait3A_581] : memref<3x2x64x128xf32, #tpu.memory_space<vmem>> -> memref<1x1x64x128xf32, #tpu.memory_space<vmem>>
      %dma_wait3A_583 = tpu.memref_squeeze %dma_wait3A_582 : memref<1x1x64x128xf32, #tpu.memory_space<vmem>> -> memref<64x128xf32, #tpu.memory_space<vmem>>
      %dma_wait3A_584 = arith.constant 0 : i32
      %dma_wait3A_585 = arith.constant 0 : i32
      %dma_wait3A_586 = tpu.memref_slice %arg2[%dma_wait3A_584, %dma_wait3A_585] : memref<64x1000000xf32, #tpu.memory_space<hbm>> -> memref<64x128xf32, #tpu.memory_space<hbm>>
      %dma_wait3A_587 = arith.constant 0 : i32
      %dma_wait3A_588 = arith.constant 0 : i32
      %dma_wait3A_589 = tpu.memref_slice %arg6[%dma_wait3A_578, %dma_wait3A_579, %dma_wait3A_587, %dma_wait3A_588] : memref<3x2x64x128xf32, #tpu.memory_space<vmem>> -> memref<1x1x64x128xf32, #tpu.memory_space<vmem>>
      %dma_wait3A_590 = tpu.memref_squeeze %dma_wait3A_589 : memref<1x1x64x128xf32, #tpu.memory_space<vmem>> -> memref<64x128xf32, #tpu.memory_space<vmem>>
      %dma_wait3A_591 = arith.constant 0 : i32
      %dma_wait3A_592 = arith.constant 0 : i32
      %dma_wait3A_593 = tpu.memref_slice %arg2[%dma_wait3A_591, %dma_wait3A_592] : memref<64x1000000xf32, #tpu.memory_space<hbm>> -> memref<64x128xf32, #tpu.memory_space<hbm>>
      tpu.wait_dma2 semaphore(%arg8 : memref<!tpu.dma_semaphore, #tpu.memory_space<semaphore_mem>>) src(%dma_wait3A_593 : memref<64x128xf32, #tpu.memory_space<hbm>>) dst(%dma_wait3A_590 : memref<64x128xf32, #tpu.memory_space<vmem>>)
      %slice3A_594 = vector.extract_strided_slice %and3A_19 {offsets = [4], sizes = [1], strides = [1]} : vector<16xi32> to vector<1xi32>
      %squeeze3A_595 = vector.extract %slice3A_594[0] : i32 from vector<1xi32>
      %broadcast_in_dim3A_596 = vector.broadcast %squeeze3A_595 : i32 to vector<16xi32>
      %add3A_597 = arith.constant 0 : i32
      %add3A_598 = vector.broadcast %add3A_597 : i32 to vector<16xi32>
      %add3A_599 = arith.addi %iota3A, %add3A_598 : vector<16xi32>
      %gather3A_600 = arith.constant 2 : i32
      %gather3A_601 = arith.constant 0 : i32
      %gather3A_602 = arith.constant 0 : i32
      %gather3A_603 = arith.constant 0 : i32
      %gather3A_604 = tpu.memref_slice %arg6[%gather3A_600, %gather3A_601, %gather3A_602, %gather3A_603] : memref<3x2x64x128xf32, #tpu.memory_space<vmem>> -> memref<1x1x64x128xf32, #tpu.memory_space<vmem>>
      %gather3A_605 = tpu.memref_squeeze %gather3A_604 : memref<1x1x64x128xf32, #tpu.memory_space<vmem>> -> memref<64x128xf32, #tpu.memory_space<vmem>>
      %gather3A_606 = tpu.vector_load_idx %gather3A_605[%add3A_599, %broadcast_in_dim3A_596] : memref<64x128xf32, #tpu.memory_space<vmem>>[vector<16xi32>, vector<16xi32>], vector<16xf32>,
      %mul3A_607 = arith.constant 16 : i32
      %mul3A_608 = arith.muli %scan3A_9, %mul3A_607 : i32
      %add3A_609 = arith.constant 4 : i32
      %add3A_610 = arith.addi %mul3A_608, %add3A_609 : i32
      %add3A_611 = arith.constant 0 : i32
      %add3A_612 = arith.addi %add3A_610, %add3A_611 : i32
      %swap3A_613 = arith.index_cast %add3A_612 : i32 to index
      %swap3A_614 = arith.constant 0 : index
      %swap3A_615 = tpu.vector_load %arg7[%swap3A_613, %swap3A_614] {strides = array<i32>} : memref<512x64xf32, #tpu.memory_space<vmem>>, vector<16xf32>,
      tpu.vector_store %arg7[%swap3A_613, %swap3A_614], %gather3A_606 {strides = array<i32>} : memref<512x64xf32, #tpu.memory_space<vmem>>, vector<16xf32>,
      %add3A_616 = arith.constant 16 : i32
      %add3A_617 = vector.broadcast %add3A_616 : i32 to vector<16xi32>
      %add3A_618 = arith.addi %iota3A, %add3A_617 : vector<16xi32>
      %gather3A_619 = arith.constant 2 : i32
      %gather3A_620 = arith.constant 0 : i32
      %gather3A_621 = arith.constant 0 : i32
      %gather3A_622 = arith.constant 0 : i32
      %gather3A_623 = tpu.memref_slice %arg6[%gather3A_619, %gather3A_620, %gather3A_621, %gather3A_622] : memref<3x2x64x128xf32, #tpu.memory_space<vmem>> -> memref<1x1x64x128xf32, #tpu.memory_space<vmem>>
      %gather3A_624 = tpu.memref_squeeze %gather3A_623 : memref<1x1x64x128xf32, #tpu.memory_space<vmem>> -> memref<64x128xf32, #tpu.memory_space<vmem>>
      %gather3A_625 = tpu.vector_load_idx %gather3A_624[%add3A_618, %broadcast_in_dim3A_596] : memref<64x128xf32, #tpu.memory_space<vmem>>[vector<16xi32>, vector<16xi32>], vector<16xf32>,
      %mul3A_626 = arith.constant 16 : i32
      %mul3A_627 = arith.muli %scan3A_9, %mul3A_626 : i32
      %add3A_628 = arith.constant 4 : i32
      %add3A_629 = arith.addi %mul3A_627, %add3A_628 : i32
      %add3A_630 = arith.constant 0 : i32
      %add3A_631 = arith.addi %add3A_629, %add3A_630 : i32
      %swap3A_632 = arith.index_cast %add3A_631 : i32 to index
      %swap3A_633 = arith.constant 16 : index
      %swap3A_634 = tpu.vector_load %arg7[%swap3A_632, %swap3A_633] {strides = array<i32>} : memref<512x64xf32, #tpu.memory_space<vmem>>, vector<16xf32>,
      tpu.vector_store %arg7[%swap3A_632, %swap3A_633], %gather3A_625 {strides = array<i32>} : memref<512x64xf32, #tpu.memory_space<vmem>>, vector<16xf32>,
      %add3A_635 = arith.constant 32 : i32
      %add3A_636 = vector.broadcast %add3A_635 : i32 to vector<16xi32>
      %add3A_637 = arith.addi %iota3A, %add3A_636 : vector<16xi32>
      %gather3A_638 = arith.constant 2 : i32
      %gather3A_639 = arith.constant 0 : i32
      %gather3A_640 = arith.constant 0 : i32
      %gather3A_641 = arith.constant 0 : i32
      %gather3A_642 = tpu.memref_slice %arg6[%gather3A_638, %gather3A_639, %gather3A_640, %gather3A_641] : memref<3x2x64x128xf32, #tpu.memory_space<vmem>> -> memref<1x1x64x128xf32, #tpu.memory_space<vmem>>
      %gather3A_643 = tpu.memref_squeeze %gather3A_642 : memref<1x1x64x128xf32, #tpu.memory_space<vmem>> -> memref<64x128xf32, #tpu.memory_space<vmem>>
      %gather3A_644 = tpu.vector_load_idx %gather3A_643[%add3A_637, %broadcast_in_dim3A_596] : memref<64x128xf32, #tpu.memory_space<vmem>>[vector<16xi32>, vector<16xi32>], vector<16xf32>,
      %mul3A_645 = arith.constant 16 : i32
      %mul3A_646 = arith.muli %scan3A_9, %mul3A_645 : i32
      %add3A_647 = arith.constant 4 : i32
      %add3A_648 = arith.addi %mul3A_646, %add3A_647 : i32
      %add3A_649 = arith.constant 0 : i32
      %add3A_650 = arith.addi %add3A_648, %add3A_649 : i32
      %swap3A_651 = arith.index_cast %add3A_650 : i32 to index
      %swap3A_652 = arith.constant 32 : index
      %swap3A_653 = tpu.vector_load %arg7[%swap3A_651, %swap3A_652] {strides = array<i32>} : memref<512x64xf32, #tpu.memory_space<vmem>>, vector<16xf32>,
      tpu.vector_store %arg7[%swap3A_651, %swap3A_652], %gather3A_644 {strides = array<i32>} : memref<512x64xf32, #tpu.memory_space<vmem>>, vector<16xf32>,
      %add3A_654 = arith.constant 48 : i32
      %add3A_655 = vector.broadcast %add3A_654 : i32 to vector<16xi32>
      %add3A_656 = arith.addi %iota3A, %add3A_655 : vector<16xi32>
      %gather3A_657 = arith.constant 2 : i32
      %gather3A_658 = arith.constant 0 : i32
      %gather3A_659 = arith.constant 0 : i32
      %gather3A_660 = arith.constant 0 : i32
      %gather3A_661 = tpu.memref_slice %arg6[%gather3A_657, %gather3A_658, %gather3A_659, %gather3A_660] : memref<3x2x64x128xf32, #tpu.memory_space<vmem>> -> memref<1x1x64x128xf32, #tpu.memory_space<vmem>>
      %gather3A_662 = tpu.memref_squeeze %gather3A_661 : memref<1x1x64x128xf32, #tpu.memory_space<vmem>> -> memref<64x128xf32, #tpu.memory_space<vmem>>
      %gather3A_663 = tpu.vector_load_idx %gather3A_662[%add3A_656, %broadcast_in_dim3A_596] : memref<64x128xf32, #tpu.memory_space<vmem>>[vector<16xi32>, vector<16xi32>], vector<16xf32>,
      %mul3A_664 = arith.constant 16 : i32
      %mul3A_665 = arith.muli %scan3A_9, %mul3A_664 : i32
      %add3A_666 = arith.constant 4 : i32
      %add3A_667 = arith.addi %mul3A_665, %add3A_666 : i32
      %add3A_668 = arith.constant 0 : i32
      %add3A_669 = arith.addi %add3A_667, %add3A_668 : i32
      %swap3A_670 = arith.index_cast %add3A_669 : i32 to index
      %swap3A_671 = arith.constant 48 : index
      %swap3A_672 = tpu.vector_load %arg7[%swap3A_670, %swap3A_671] {strides = array<i32>} : memref<512x64xf32, #tpu.memory_space<vmem>>, vector<16xf32>,
      tpu.vector_store %arg7[%swap3A_670, %swap3A_671], %gather3A_663 {strides = array<i32>} : memref<512x64xf32, #tpu.memory_space<vmem>>, vector<16xf32>,
      %slice3A_673 = vector.extract_strided_slice %and3A_19 {offsets = [5], sizes = [1], strides = [1]} : vector<16xi32> to vector<1xi32>
      %squeeze3A_674 = vector.extract %slice3A_673[0] : i32 from vector<1xi32>
      %broadcast_in_dim3A_675 = vector.broadcast %squeeze3A_674 : i32 to vector<16xi32>
      %add3A_676 = arith.constant 0 : i32
      %add3A_677 = vector.broadcast %add3A_676 : i32 to vector<16xi32>
      %add3A_678 = arith.addi %iota3A, %add3A_677 : vector<16xi32>
      %gather3A_679 = arith.constant 2 : i32
      %gather3A_680 = arith.constant 1 : i32
      %gather3A_681 = arith.constant 0 : i32
      %gather3A_682 = arith.constant 0 : i32
      %gather3A_683 = tpu.memref_slice %arg6[%gather3A_679, %gather3A_680, %gather3A_681, %gather3A_682] : memref<3x2x64x128xf32, #tpu.memory_space<vmem>> -> memref<1x1x64x128xf32, #tpu.memory_space<vmem>>
      %gather3A_684 = tpu.memref_squeeze %gather3A_683 : memref<1x1x64x128xf32, #tpu.memory_space<vmem>> -> memref<64x128xf32, #tpu.memory_space<vmem>>
      %gather3A_685 = tpu.vector_load_idx %gather3A_684[%add3A_678, %broadcast_in_dim3A_675] : memref<64x128xf32, #tpu.memory_space<vmem>>[vector<16xi32>, vector<16xi32>], vector<16xf32>,
      %mul3A_686 = arith.constant 16 : i32
      %mul3A_687 = arith.muli %scan3A_9, %mul3A_686 : i32
      %add3A_688 = arith.constant 4 : i32
      %add3A_689 = arith.addi %mul3A_687, %add3A_688 : i32
      %add3A_690 = arith.constant 1 : i32
      %add3A_691 = arith.addi %add3A_689, %add3A_690 : i32
      %swap3A_692 = arith.index_cast %add3A_691 : i32 to index
      %swap3A_693 = arith.constant 0 : index
      %swap3A_694 = tpu.vector_load %arg7[%swap3A_692, %swap3A_693] {strides = array<i32>} : memref<512x64xf32, #tpu.memory_space<vmem>>, vector<16xf32>,
      tpu.vector_store %arg7[%swap3A_692, %swap3A_693], %gather3A_685 {strides = array<i32>} : memref<512x64xf32, #tpu.memory_space<vmem>>, vector<16xf32>,
      %add3A_695 = arith.constant 16 : i32
      %add3A_696 = vector.broadcast %add3A_695 : i32 to vector<16xi32>
      %add3A_697 = arith.addi %iota3A, %add3A_696 : vector<16xi32>
      %gather3A_698 = arith.constant 2 : i32
      %gather3A_699 = arith.constant 1 : i32
      %gather3A_700 = arith.constant 0 : i32
      %gather3A_701 = arith.constant 0 : i32
      %gather3A_702 = tpu.memref_slice %arg6[%gather3A_698, %gather3A_699, %gather3A_700, %gather3A_701] : memref<3x2x64x128xf32, #tpu.memory_space<vmem>> -> memref<1x1x64x128xf32, #tpu.memory_space<vmem>>
      %gather3A_703 = tpu.memref_squeeze %gather3A_702 : memref<1x1x64x128xf32, #tpu.memory_space<vmem>> -> memref<64x128xf32, #tpu.memory_space<vmem>>
      %gather3A_704 = tpu.vector_load_idx %gather3A_703[%add3A_697, %broadcast_in_dim3A_675] : memref<64x128xf32, #tpu.memory_space<vmem>>[vector<16xi32>, vector<16xi32>], vector<16xf32>,
      %mul3A_705 = arith.constant 16 : i32
      %mul3A_706 = arith.muli %scan3A_9, %mul3A_705 : i32
      %add3A_707 = arith.constant 4 : i32
      %add3A_708 = arith.addi %mul3A_706, %add3A_707 : i32
      %add3A_709 = arith.constant 1 : i32
      %add3A_710 = arith.addi %add3A_708, %add3A_709 : i32
      %swap3A_711 = arith.index_cast %add3A_710 : i32 to index
      %swap3A_712 = arith.constant 16 : index
      %swap3A_713 = tpu.vector_load %arg7[%swap3A_711, %swap3A_712] {strides = array<i32>} : memref<512x64xf32, #tpu.memory_space<vmem>>, vector<16xf32>,
      tpu.vector_store %arg7[%swap3A_711, %swap3A_712], %gather3A_704 {strides = array<i32>} : memref<512x64xf32, #tpu.memory_space<vmem>>, vector<16xf32>,
      %add3A_714 = arith.constant 32 : i32
      %add3A_715 = vector.broadcast %add3A_714 : i32 to vector<16xi32>
      %add3A_716 = arith.addi %iota3A, %add3A_715 : vector<16xi32>
      %gather3A_717 = arith.constant 2 : i32
      %gather3A_718 = arith.constant 1 : i32
      %gather3A_719 = arith.constant 0 : i32
      %gather3A_720 = arith.constant 0 : i32
      %gather3A_721 = tpu.memref_slice %arg6[%gather3A_717, %gather3A_718, %gather3A_719, %gather3A_720] : memref<3x2x64x128xf32, #tpu.memory_space<vmem>> -> memref<1x1x64x128xf32, #tpu.memory_space<vmem>>
      %gather3A_722 = tpu.memref_squeeze %gather3A_721 : memref<1x1x64x128xf32, #tpu.memory_space<vmem>> -> memref<64x128xf32, #tpu.memory_space<vmem>>
      %gather3A_723 = tpu.vector_load_idx %gather3A_722[%add3A_716, %broadcast_in_dim3A_675] : memref<64x128xf32, #tpu.memory_space<vmem>>[vector<16xi32>, vector<16xi32>], vector<16xf32>,
      %mul3A_724 = arith.constant 16 : i32
      %mul3A_725 = arith.muli %scan3A_9, %mul3A_724 : i32
      %add3A_726 = arith.constant 4 : i32
      %add3A_727 = arith.addi %mul3A_725, %add3A_726 : i32
      %add3A_728 = arith.constant 1 : i32
      %add3A_729 = arith.addi %add3A_727, %add3A_728 : i32
      %swap3A_730 = arith.index_cast %add3A_729 : i32 to index
      %swap3A_731 = arith.constant 32 : index
      %swap3A_732 = tpu.vector_load %arg7[%swap3A_730, %swap3A_731] {strides = array<i32>} : memref<512x64xf32, #tpu.memory_space<vmem>>, vector<16xf32>,
      tpu.vector_store %arg7[%swap3A_730, %swap3A_731], %gather3A_723 {strides = array<i32>} : memref<512x64xf32, #tpu.memory_space<vmem>>, vector<16xf32>,
      %add3A_733 = arith.constant 48 : i32
      %add3A_734 = vector.broadcast %add3A_733 : i32 to vector<16xi32>
      %add3A_735 = arith.addi %iota3A, %add3A_734 : vector<16xi32>
      %gather3A_736 = arith.constant 2 : i32
      %gather3A_737 = arith.constant 1 : i32
      %gather3A_738 = arith.constant 0 : i32
      %gather3A_739 = arith.constant 0 : i32
      %gather3A_740 = tpu.memref_slice %arg6[%gather3A_736, %gather3A_737, %gather3A_738, %gather3A_739] : memref<3x2x64x128xf32, #tpu.memory_space<vmem>> -> memref<1x1x64x128xf32, #tpu.memory_space<vmem>>
      %gather3A_741 = tpu.memref_squeeze %gather3A_740 : memref<1x1x64x128xf32, #tpu.memory_space<vmem>> -> memref<64x128xf32, #tpu.memory_space<vmem>>
      %gather3A_742 = tpu.vector_load_idx %gather3A_741[%add3A_735, %broadcast_in_dim3A_675] : memref<64x128xf32, #tpu.memory_space<vmem>>[vector<16xi32>, vector<16xi32>], vector<16xf32>,
      %mul3A_743 = arith.constant 16 : i32
      %mul3A_744 = arith.muli %scan3A_9, %mul3A_743 : i32
      %add3A_745 = arith.constant 4 : i32
      %add3A_746 = arith.addi %mul3A_744, %add3A_745 : i32
      %add3A_747 = arith.constant 1 : i32
      %add3A_748 = arith.addi %add3A_746, %add3A_747 : i32
      %swap3A_749 = arith.index_cast %add3A_748 : i32 to index
      %swap3A_750 = arith.constant 48 : index
      %swap3A_751 = tpu.vector_load %arg7[%swap3A_749, %swap3A_750] {strides = array<i32>} : memref<512x64xf32, #tpu.memory_space<vmem>>, vector<16xf32>,
      tpu.vector_store %arg7[%swap3A_749, %swap3A_750], %gather3A_742 {strides = array<i32>} : memref<512x64xf32, #tpu.memory_space<vmem>>, vector<16xf32>,
      %slice3A_752 = vector.extract_strided_slice %shift_left3A_17 {offsets = [10], sizes = [1], strides = [1]} : vector<16xi32> to vector<1xi32>
      %squeeze3A_753 = vector.extract %slice3A_752[0] : i32 from vector<1xi32>
      %multiple_of3A_754 = tpu.assume_multiple %squeeze3A_753, 128 : i32
      %dma_start3A_755 = arith.constant 2 : i32
      %dma_start3A_756 = arith.constant 0 : i32
      %dma_start3A_757 = arith.constant 0 : i32
      %dma_start3A_758 = arith.constant 0 : i32
      %dma_start3A_759 = tpu.memref_slice %arg6[%dma_start3A_755, %dma_start3A_756, %dma_start3A_757, %dma_start3A_758] : memref<3x2x64x128xf32, #tpu.memory_space<vmem>> -> memref<1x1x64x128xf32, #tpu.memory_space<vmem>>
      %dma_start3A_760 = tpu.memref_squeeze %dma_start3A_759 : memref<1x1x64x128xf32, #tpu.memory_space<vmem>> -> memref<64x128xf32, #tpu.memory_space<vmem>>
      %dma_start3A_761 = arith.constant 0 : i32
      %dma_start3A_762 = tpu.memref_slice %arg2[%dma_start3A_761, %multiple_of3A_754] : memref<64x1000000xf32, #tpu.memory_space<hbm>> -> memref<64x128xf32, #tpu.memory_space<hbm>>
      %dma_start3A_763 = arith.constant 0 : i32
      %dma_start3A_764 = arith.constant 0 : i32
      %dma_start3A_765 = tpu.memref_slice %arg6[%dma_start3A_755, %dma_start3A_756, %dma_start3A_763, %dma_start3A_764] : memref<3x2x64x128xf32, #tpu.memory_space<vmem>> -> memref<1x1x64x128xf32, #tpu.memory_space<vmem>>
      %dma_start3A_766 = tpu.memref_squeeze %dma_start3A_765 : memref<1x1x64x128xf32, #tpu.memory_space<vmem>> -> memref<64x128xf32, #tpu.memory_space<vmem>>
      %dma_start3A_767 = arith.constant 0 : i32
      %dma_start3A_768 = tpu.memref_slice %arg2[%dma_start3A_767, %multiple_of3A_754] : memref<64x1000000xf32, #tpu.memory_space<hbm>> -> memref<64x128xf32, #tpu.memory_space<hbm>>
      tpu.enqueue_dma source(%dma_start3A_768 : memref<64x128xf32, #tpu.memory_space<hbm>>) target(%dma_start3A_766 : memref<64x128xf32, #tpu.memory_space<vmem>>) target_semaphore(%arg8 : memref<!tpu.dma_semaphore, #tpu.memory_space<semaphore_mem>>)
      %slice3A_769 = vector.extract_strided_slice %shift_left3A_17 {offsets = [11], sizes = [1], strides = [1]} : vector<16xi32> to vector<1xi32>
      %squeeze3A_770 = vector.extract %slice3A_769[0] : i32 from vector<1xi32>
      %multiple_of3A_771 = tpu.assume_multiple %squeeze3A_770, 128 : i32
      %dma_start3A_772 = arith.constant 2 : i32
      %dma_start3A_773 = arith.constant 1 : i32
      %dma_start3A_774 = arith.constant 0 : i32
      %dma_start3A_775 = arith.constant 0 : i32
      %dma_start3A_776 = tpu.memref_slice %arg6[%dma_start3A_772, %dma_start3A_773, %dma_start3A_774, %dma_start3A_775] : memref<3x2x64x128xf32, #tpu.memory_space<vmem>> -> memref<1x1x64x128xf32, #tpu.memory_space<vmem>>
      %dma_start3A_777 = tpu.memref_squeeze %dma_start3A_776 : memref<1x1x64x128xf32, #tpu.memory_space<vmem>> -> memref<64x128xf32, #tpu.memory_space<vmem>>
      %dma_start3A_778 = arith.constant 0 : i32
      %dma_start3A_779 = tpu.memref_slice %arg2[%dma_start3A_778, %multiple_of3A_771] : memref<64x1000000xf32, #tpu.memory_space<hbm>> -> memref<64x128xf32, #tpu.memory_space<hbm>>
      %dma_start3A_780 = arith.constant 0 : i32
      %dma_start3A_781 = arith.constant 0 : i32
      %dma_start3A_782 = tpu.memref_slice %arg6[%dma_start3A_772, %dma_start3A_773, %dma_start3A_780, %dma_start3A_781] : memref<3x2x64x128xf32, #tpu.memory_space<vmem>> -> memref<1x1x64x128xf32, #tpu.memory_space<vmem>>
      %dma_start3A_783 = tpu.memref_squeeze %dma_start3A_782 : memref<1x1x64x128xf32, #tpu.memory_space<vmem>> -> memref<64x128xf32, #tpu.memory_space<vmem>>
      %dma_start3A_784 = arith.constant 0 : i32
      %dma_start3A_785 = tpu.memref_slice %arg2[%dma_start3A_784, %multiple_of3A_771] : memref<64x1000000xf32, #tpu.memory_space<hbm>> -> memref<64x128xf32, #tpu.memory_space<hbm>>
      tpu.enqueue_dma source(%dma_start3A_785 : memref<64x128xf32, #tpu.memory_space<hbm>>) target(%dma_start3A_783 : memref<64x128xf32, #tpu.memory_space<vmem>>) target_semaphore(%arg8 : memref<!tpu.dma_semaphore, #tpu.memory_space<semaphore_mem>>)
      %dma_wait3A_786 = arith.constant 0 : i32
      %dma_wait3A_787 = arith.constant 0 : i32
      %dma_wait3A_788 = arith.constant 0 : i32
      %dma_wait3A_789 = arith.constant 0 : i32
      %dma_wait3A_790 = tpu.memref_slice %arg6[%dma_wait3A_786, %dma_wait3A_787, %dma_wait3A_788, %dma_wait3A_789] : memref<3x2x64x128xf32, #tpu.memory_space<vmem>> -> memref<1x1x64x128xf32, #tpu.memory_space<vmem>>
      %dma_wait3A_791 = tpu.memref_squeeze %dma_wait3A_790 : memref<1x1x64x128xf32, #tpu.memory_space<vmem>> -> memref<64x128xf32, #tpu.memory_space<vmem>>
      %dma_wait3A_792 = arith.constant 0 : i32
      %dma_wait3A_793 = arith.constant 0 : i32
      %dma_wait3A_794 = tpu.memref_slice %arg2[%dma_wait3A_792, %dma_wait3A_793] : memref<64x1000000xf32, #tpu.memory_space<hbm>> -> memref<64x128xf32, #tpu.memory_space<hbm>>
      %dma_wait3A_795 = arith.constant 0 : i32
      %dma_wait3A_796 = arith.constant 0 : i32
      %dma_wait3A_797 = tpu.memref_slice %arg6[%dma_wait3A_786, %dma_wait3A_787, %dma_wait3A_795, %dma_wait3A_796] : memref<3x2x64x128xf32, #tpu.memory_space<vmem>> -> memref<1x1x64x128xf32, #tpu.memory_space<vmem>>
      %dma_wait3A_798 = tpu.memref_squeeze %dma_wait3A_797 : memref<1x1x64x128xf32, #tpu.memory_space<vmem>> -> memref<64x128xf32, #tpu.memory_space<vmem>>
      %dma_wait3A_799 = arith.constant 0 : i32
      %dma_wait3A_800 = arith.constant 0 : i32
      %dma_wait3A_801 = tpu.memref_slice %arg2[%dma_wait3A_799, %dma_wait3A_800] : memref<64x1000000xf32, #tpu.memory_space<hbm>> -> memref<64x128xf32, #tpu.memory_space<hbm>>
      tpu.wait_dma2 semaphore(%arg8 : memref<!tpu.dma_semaphore, #tpu.memory_space<semaphore_mem>>) src(%dma_wait3A_801 : memref<64x128xf32, #tpu.memory_space<hbm>>) dst(%dma_wait3A_798 : memref<64x128xf32, #tpu.memory_space<vmem>>)
      %dma_wait3A_802 = arith.constant 0 : i32
      %dma_wait3A_803 = arith.constant 1 : i32
      %dma_wait3A_804 = arith.constant 0 : i32
      %dma_wait3A_805 = arith.constant 0 : i32
      %dma_wait3A_806 = tpu.memref_slice %arg6[%dma_wait3A_802, %dma_wait3A_803, %dma_wait3A_804, %dma_wait3A_805] : memref<3x2x64x128xf32, #tpu.memory_space<vmem>> -> memref<1x1x64x128xf32, #tpu.memory_space<vmem>>
      %dma_wait3A_807 = tpu.memref_squeeze %dma_wait3A_806 : memref<1x1x64x128xf32, #tpu.memory_space<vmem>> -> memref<64x128xf32, #tpu.memory_space<vmem>>
      %dma_wait3A_808 = arith.constant 0 : i32
      %dma_wait3A_809 = arith.constant 0 : i32
      %dma_wait3A_810 = tpu.memref_slice %arg2[%dma_wait3A_808, %dma_wait3A_809] : memref<64x1000000xf32, #tpu.memory_space<hbm>> -> memref<64x128xf32, #tpu.memory_space<hbm>>
      %dma_wait3A_811 = arith.constant 0 : i32
      %dma_wait3A_812 = arith.constant 0 : i32
      %dma_wait3A_813 = tpu.memref_slice %arg6[%dma_wait3A_802, %dma_wait3A_803, %dma_wait3A_811, %dma_wait3A_812] : memref<3x2x64x128xf32, #tpu.memory_space<vmem>> -> memref<1x1x64x128xf32, #tpu.memory_space<vmem>>
      %dma_wait3A_814 = tpu.memref_squeeze %dma_wait3A_813 : memref<1x1x64x128xf32, #tpu.memory_space<vmem>> -> memref<64x128xf32, #tpu.memory_space<vmem>>
      %dma_wait3A_815 = arith.constant 0 : i32
      %dma_wait3A_816 = arith.constant 0 : i32
      %dma_wait3A_817 = tpu.memref_slice %arg2[%dma_wait3A_815, %dma_wait3A_816] : memref<64x1000000xf32, #tpu.memory_space<hbm>> -> memref<64x128xf32, #tpu.memory_space<hbm>>
      tpu.wait_dma2 semaphore(%arg8 : memref<!tpu.dma_semaphore, #tpu.memory_space<semaphore_mem>>) src(%dma_wait3A_817 : memref<64x128xf32, #tpu.memory_space<hbm>>) dst(%dma_wait3A_814 : memref<64x128xf32, #tpu.memory_space<vmem>>)
      %slice3A_818 = vector.extract_strided_slice %and3A_19 {offsets = [6], sizes = [1], strides = [1]} : vector<16xi32> to vector<1xi32>
      %squeeze3A_819 = vector.extract %slice3A_818[0] : i32 from vector<1xi32>
      %broadcast_in_dim3A_820 = vector.broadcast %squeeze3A_819 : i32 to vector<16xi32>
      %add3A_821 = arith.constant 0 : i32
      %add3A_822 = vector.broadcast %add3A_821 : i32 to vector<16xi32>
      %add3A_823 = arith.addi %iota3A, %add3A_822 : vector<16xi32>
      %gather3A_824 = arith.constant 0 : i32
      %gather3A_825 = arith.constant 0 : i32
      %gather3A_826 = arith.constant 0 : i32
      %gather3A_827 = arith.constant 0 : i32
      %gather3A_828 = tpu.memref_slice %arg6[%gather3A_824, %gather3A_825, %gather3A_826, %gather3A_827] : memref<3x2x64x128xf32, #tpu.memory_space<vmem>> -> memref<1x1x64x128xf32, #tpu.memory_space<vmem>>
      %gather3A_829 = tpu.memref_squeeze %gather3A_828 : memref<1x1x64x128xf32, #tpu.memory_space<vmem>> -> memref<64x128xf32, #tpu.memory_space<vmem>>
      %gather3A_830 = tpu.vector_load_idx %gather3A_829[%add3A_823, %broadcast_in_dim3A_820] : memref<64x128xf32, #tpu.memory_space<vmem>>[vector<16xi32>, vector<16xi32>], vector<16xf32>,
      %mul3A_831 = arith.constant 16 : i32
      %mul3A_832 = arith.muli %scan3A_9, %mul3A_831 : i32
      %add3A_833 = arith.constant 6 : i32
      %add3A_834 = arith.addi %mul3A_832, %add3A_833 : i32
      %add3A_835 = arith.constant 0 : i32
      %add3A_836 = arith.addi %add3A_834, %add3A_835 : i32
      %swap3A_837 = arith.index_cast %add3A_836 : i32 to index
      %swap3A_838 = arith.constant 0 : index
      %swap3A_839 = tpu.vector_load %arg7[%swap3A_837, %swap3A_838] {strides = array<i32>} : memref<512x64xf32, #tpu.memory_space<vmem>>, vector<16xf32>,
      tpu.vector_store %arg7[%swap3A_837, %swap3A_838], %gather3A_830 {strides = array<i32>} : memref<512x64xf32, #tpu.memory_space<vmem>>, vector<16xf32>,
      %add3A_840 = arith.constant 16 : i32
      %add3A_841 = vector.broadcast %add3A_840 : i32 to vector<16xi32>
      %add3A_842 = arith.addi %iota3A, %add3A_841 : vector<16xi32>
      %gather3A_843 = arith.constant 0 : i32
      %gather3A_844 = arith.constant 0 : i32
      %gather3A_845 = arith.constant 0 : i32
      %gather3A_846 = arith.constant 0 : i32
      %gather3A_847 = tpu.memref_slice %arg6[%gather3A_843, %gather3A_844, %gather3A_845, %gather3A_846] : memref<3x2x64x128xf32, #tpu.memory_space<vmem>> -> memref<1x1x64x128xf32, #tpu.memory_space<vmem>>
      %gather3A_848 = tpu.memref_squeeze %gather3A_847 : memref<1x1x64x128xf32, #tpu.memory_space<vmem>> -> memref<64x128xf32, #tpu.memory_space<vmem>>
      %gather3A_849 = tpu.vector_load_idx %gather3A_848[%add3A_842, %broadcast_in_dim3A_820] : memref<64x128xf32, #tpu.memory_space<vmem>>[vector<16xi32>, vector<16xi32>], vector<16xf32>,
      %mul3A_850 = arith.constant 16 : i32
      %mul3A_851 = arith.muli %scan3A_9, %mul3A_850 : i32
      %add3A_852 = arith.constant 6 : i32
      %add3A_853 = arith.addi %mul3A_851, %add3A_852 : i32
      %add3A_854 = arith.constant 0 : i32
      %add3A_855 = arith.addi %add3A_853, %add3A_854 : i32
      %swap3A_856 = arith.index_cast %add3A_855 : i32 to index
      %swap3A_857 = arith.constant 16 : index
      %swap3A_858 = tpu.vector_load %arg7[%swap3A_856, %swap3A_857] {strides = array<i32>} : memref<512x64xf32, #tpu.memory_space<vmem>>, vector<16xf32>,
      tpu.vector_store %arg7[%swap3A_856, %swap3A_857], %gather3A_849 {strides = array<i32>} : memref<512x64xf32, #tpu.memory_space<vmem>>, vector<16xf32>,
      %add3A_859 = arith.constant 32 : i32
      %add3A_860 = vector.broadcast %add3A_859 : i32 to vector<16xi32>
      %add3A_861 = arith.addi %iota3A, %add3A_860 : vector<16xi32>
      %gather3A_862 = arith.constant 0 : i32
      %gather3A_863 = arith.constant 0 : i32
      %gather3A_864 = arith.constant 0 : i32
      %gather3A_865 = arith.constant 0 : i32
      %gather3A_866 = tpu.memref_slice %arg6[%gather3A_862, %gather3A_863, %gather3A_864, %gather3A_865] : memref<3x2x64x128xf32, #tpu.memory_space<vmem>> -> memref<1x1x64x128xf32, #tpu.memory_space<vmem>>
      %gather3A_867 = tpu.memref_squeeze %gather3A_866 : memref<1x1x64x128xf32, #tpu.memory_space<vmem>> -> memref<64x128xf32, #tpu.memory_space<vmem>>
      %gather3A_868 = tpu.vector_load_idx %gather3A_867[%add3A_861, %broadcast_in_dim3A_820] : memref<64x128xf32, #tpu.memory_space<vmem>>[vector<16xi32>, vector<16xi32>], vector<16xf32>,
      %mul3A_869 = arith.constant 16 : i32
      %mul3A_870 = arith.muli %scan3A_9, %mul3A_869 : i32
      %add3A_871 = arith.constant 6 : i32
      %add3A_872 = arith.addi %mul3A_870, %add3A_871 : i32
      %add3A_873 = arith.constant 0 : i32
      %add3A_874 = arith.addi %add3A_872, %add3A_873 : i32
      %swap3A_875 = arith.index_cast %add3A_874 : i32 to index
      %swap3A_876 = arith.constant 32 : index
      %swap3A_877 = tpu.vector_load %arg7[%swap3A_875, %swap3A_876] {strides = array<i32>} : memref<512x64xf32, #tpu.memory_space<vmem>>, vector<16xf32>,
      tpu.vector_store %arg7[%swap3A_875, %swap3A_876], %gather3A_868 {strides = array<i32>} : memref<512x64xf32, #tpu.memory_space<vmem>>, vector<16xf32>,
      %add3A_878 = arith.constant 48 : i32
      %add3A_879 = vector.broadcast %add3A_878 : i32 to vector<16xi32>
      %add3A_880 = arith.addi %iota3A, %add3A_879 : vector<16xi32>
      %gather3A_881 = arith.constant 0 : i32
      %gather3A_882 = arith.constant 0 : i32
      %gather3A_883 = arith.constant 0 : i32
      %gather3A_884 = arith.constant 0 : i32
      %gather3A_885 = tpu.memref_slice %arg6[%gather3A_881, %gather3A_882, %gather3A_883, %gather3A_884] : memref<3x2x64x128xf32, #tpu.memory_space<vmem>> -> memref<1x1x64x128xf32, #tpu.memory_space<vmem>>
      %gather3A_886 = tpu.memref_squeeze %gather3A_885 : memref<1x1x64x128xf32, #tpu.memory_space<vmem>> -> memref<64x128xf32, #tpu.memory_space<vmem>>
      %gather3A_887 = tpu.vector_load_idx %gather3A_886[%add3A_880, %broadcast_in_dim3A_820] : memref<64x128xf32, #tpu.memory_space<vmem>>[vector<16xi32>, vector<16xi32>], vector<16xf32>,
      %mul3A_888 = arith.constant 16 : i32
      %mul3A_889 = arith.muli %scan3A_9, %mul3A_888 : i32
      %add3A_890 = arith.constant 6 : i32
      %add3A_891 = arith.addi %mul3A_889, %add3A_890 : i32
      %add3A_892 = arith.constant 0 : i32
      %add3A_893 = arith.addi %add3A_891, %add3A_892 : i32
      %swap3A_894 = arith.index_cast %add3A_893 : i32 to index
      %swap3A_895 = arith.constant 48 : index
      %swap3A_896 = tpu.vector_load %arg7[%swap3A_894, %swap3A_895] {strides = array<i32>} : memref<512x64xf32, #tpu.memory_space<vmem>>, vector<16xf32>,
      tpu.vector_store %arg7[%swap3A_894, %swap3A_895], %gather3A_887 {strides = array<i32>} : memref<512x64xf32, #tpu.memory_space<vmem>>, vector<16xf32>,
      %slice3A_897 = vector.extract_strided_slice %and3A_19 {offsets = [7], sizes = [1], strides = [1]} : vector<16xi32> to vector<1xi32>
      %squeeze3A_898 = vector.extract %slice3A_897[0] : i32 from vector<1xi32>
      %broadcast_in_dim3A_899 = vector.broadcast %squeeze3A_898 : i32 to vector<16xi32>
      %add3A_900 = arith.constant 0 : i32
      %add3A_901 = vector.broadcast %add3A_900 : i32 to vector<16xi32>
      %add3A_902 = arith.addi %iota3A, %add3A_901 : vector<16xi32>
      %gather3A_903 = arith.constant 0 : i32
      %gather3A_904 = arith.constant 1 : i32
      %gather3A_905 = arith.constant 0 : i32
      %gather3A_906 = arith.constant 0 : i32
      %gather3A_907 = tpu.memref_slice %arg6[%gather3A_903, %gather3A_904, %gather3A_905, %gather3A_906] : memref<3x2x64x128xf32, #tpu.memory_space<vmem>> -> memref<1x1x64x128xf32, #tpu.memory_space<vmem>>
      %gather3A_908 = tpu.memref_squeeze %gather3A_907 : memref<1x1x64x128xf32, #tpu.memory_space<vmem>> -> memref<64x128xf32, #tpu.memory_space<vmem>>
      %gather3A_909 = tpu.vector_load_idx %gather3A_908[%add3A_902, %broadcast_in_dim3A_899] : memref<64x128xf32, #tpu.memory_space<vmem>>[vector<16xi32>, vector<16xi32>], vector<16xf32>,
      %mul3A_910 = arith.constant 16 : i32
      %mul3A_911 = arith.muli %scan3A_9, %mul3A_910 : i32
      %add3A_912 = arith.constant 6 : i32
      %add3A_913 = arith.addi %mul3A_911, %add3A_912 : i32
      %add3A_914 = arith.constant 1 : i32
      %add3A_915 = arith.addi %add3A_913, %add3A_914 : i32
      %swap3A_916 = arith.index_cast %add3A_915 : i32 to index
      %swap3A_917 = arith.constant 0 : index
      %swap3A_918 = tpu.vector_load %arg7[%swap3A_916, %swap3A_917] {strides = array<i32>} : memref<512x64xf32, #tpu.memory_space<vmem>>, vector<16xf32>,
      tpu.vector_store %arg7[%swap3A_916, %swap3A_917], %gather3A_909 {strides = array<i32>} : memref<512x64xf32, #tpu.memory_space<vmem>>, vector<16xf32>,
      %add3A_919 = arith.constant 16 : i32
      %add3A_920 = vector.broadcast %add3A_919 : i32 to vector<16xi32>
      %add3A_921 = arith.addi %iota3A, %add3A_920 : vector<16xi32>
      %gather3A_922 = arith.constant 0 : i32
      %gather3A_923 = arith.constant 1 : i32
      %gather3A_924 = arith.constant 0 : i32
      %gather3A_925 = arith.constant 0 : i32
      %gather3A_926 = tpu.memref_slice %arg6[%gather3A_922, %gather3A_923, %gather3A_924, %gather3A_925] : memref<3x2x64x128xf32, #tpu.memory_space<vmem>> -> memref<1x1x64x128xf32, #tpu.memory_space<vmem>>
      %gather3A_927 = tpu.memref_squeeze %gather3A_926 : memref<1x1x64x128xf32, #tpu.memory_space<vmem>> -> memref<64x128xf32, #tpu.memory_space<vmem>>
      %gather3A_928 = tpu.vector_load_idx %gather3A_927[%add3A_921, %broadcast_in_dim3A_899] : memref<64x128xf32, #tpu.memory_space<vmem>>[vector<16xi32>, vector<16xi32>], vector<16xf32>,
      %mul3A_929 = arith.constant 16 : i32
      %mul3A_930 = arith.muli %scan3A_9, %mul3A_929 : i32
      %add3A_931 = arith.constant 6 : i32
      %add3A_932 = arith.addi %mul3A_930, %add3A_931 : i32
      %add3A_933 = arith.constant 1 : i32
      %add3A_934 = arith.addi %add3A_932, %add3A_933 : i32
      %swap3A_935 = arith.index_cast %add3A_934 : i32 to index
      %swap3A_936 = arith.constant 16 : index
      %swap3A_937 = tpu.vector_load %arg7[%swap3A_935, %swap3A_936] {strides = array<i32>} : memref<512x64xf32, #tpu.memory_space<vmem>>, vector<16xf32>,
      tpu.vector_store %arg7[%swap3A_935, %swap3A_936], %gather3A_928 {strides = array<i32>} : memref<512x64xf32, #tpu.memory_space<vmem>>, vector<16xf32>,
      %add3A_938 = arith.constant 32 : i32
      %add3A_939 = vector.broadcast %add3A_938 : i32 to vector<16xi32>
      %add3A_940 = arith.addi %iota3A, %add3A_939 : vector<16xi32>
      %gather3A_941 = arith.constant 0 : i32
      %gather3A_942 = arith.constant 1 : i32
      %gather3A_943 = arith.constant 0 : i32
      %gather3A_944 = arith.constant 0 : i32
      %gather3A_945 = tpu.memref_slice %arg6[%gather3A_941, %gather3A_942, %gather3A_943, %gather3A_944] : memref<3x2x64x128xf32, #tpu.memory_space<vmem>> -> memref<1x1x64x128xf32, #tpu.memory_space<vmem>>
      %gather3A_946 = tpu.memref_squeeze %gather3A_945 : memref<1x1x64x128xf32, #tpu.memory_space<vmem>> -> memref<64x128xf32, #tpu.memory_space<vmem>>
      %gather3A_947 = tpu.vector_load_idx %gather3A_946[%add3A_940, %broadcast_in_dim3A_899] : memref<64x128xf32, #tpu.memory_space<vmem>>[vector<16xi32>, vector<16xi32>], vector<16xf32>,
      %mul3A_948 = arith.constant 16 : i32
      %mul3A_949 = arith.muli %scan3A_9, %mul3A_948 : i32
      %add3A_950 = arith.constant 6 : i32
      %add3A_951 = arith.addi %mul3A_949, %add3A_950 : i32
      %add3A_952 = arith.constant 1 : i32
      %add3A_953 = arith.addi %add3A_951, %add3A_952 : i32
      %swap3A_954 = arith.index_cast %add3A_953 : i32 to index
      %swap3A_955 = arith.constant 32 : index
      %swap3A_956 = tpu.vector_load %arg7[%swap3A_954, %swap3A_955] {strides = array<i32>} : memref<512x64xf32, #tpu.memory_space<vmem>>, vector<16xf32>,
      tpu.vector_store %arg7[%swap3A_954, %swap3A_955], %gather3A_947 {strides = array<i32>} : memref<512x64xf32, #tpu.memory_space<vmem>>, vector<16xf32>,
      %add3A_957 = arith.constant 48 : i32
      %add3A_958 = vector.broadcast %add3A_957 : i32 to vector<16xi32>
      %add3A_959 = arith.addi %iota3A, %add3A_958 : vector<16xi32>
      %gather3A_960 = arith.constant 0 : i32
      %gather3A_961 = arith.constant 1 : i32
      %gather3A_962 = arith.constant 0 : i32
      %gather3A_963 = arith.constant 0 : i32
      %gather3A_964 = tpu.memref_slice %arg6[%gather3A_960, %gather3A_961, %gather3A_962, %gather3A_963] : memref<3x2x64x128xf32, #tpu.memory_space<vmem>> -> memref<1x1x64x128xf32, #tpu.memory_space<vmem>>
      %gather3A_965 = tpu.memref_squeeze %gather3A_964 : memref<1x1x64x128xf32, #tpu.memory_space<vmem>> -> memref<64x128xf32, #tpu.memory_space<vmem>>
      %gather3A_966 = tpu.vector_load_idx %gather3A_965[%add3A_959, %broadcast_in_dim3A_899] : memref<64x128xf32, #tpu.memory_space<vmem>>[vector<16xi32>, vector<16xi32>], vector<16xf32>,
      %mul3A_967 = arith.constant 16 : i32
      %mul3A_968 = arith.muli %scan3A_9, %mul3A_967 : i32
      %add3A_969 = arith.constant 6 : i32
      %add3A_970 = arith.addi %mul3A_968, %add3A_969 : i32
      %add3A_971 = arith.constant 1 : i32
      %add3A_972 = arith.addi %add3A_970, %add3A_971 : i32
      %swap3A_973 = arith.index_cast %add3A_972 : i32 to index
      %swap3A_974 = arith.constant 48 : index
      %swap3A_975 = tpu.vector_load %arg7[%swap3A_973, %swap3A_974] {strides = array<i32>} : memref<512x64xf32, #tpu.memory_space<vmem>>, vector<16xf32>,
      tpu.vector_store %arg7[%swap3A_973, %swap3A_974], %gather3A_966 {strides = array<i32>} : memref<512x64xf32, #tpu.memory_space<vmem>>, vector<16xf32>,
      %slice3A_976 = vector.extract_strided_slice %shift_left3A_17 {offsets = [12], sizes = [1], strides = [1]} : vector<16xi32> to vector<1xi32>
      %squeeze3A_977 = vector.extract %slice3A_976[0] : i32 from vector<1xi32>
      %multiple_of3A_978 = tpu.assume_multiple %squeeze3A_977, 128 : i32
      %dma_start3A_979 = arith.constant 0 : i32
      %dma_start3A_980 = arith.constant 0 : i32
      %dma_start3A_981 = arith.constant 0 : i32
      %dma_start3A_982 = arith.constant 0 : i32
      %dma_start3A_983 = tpu.memref_slice %arg6[%dma_start3A_979, %dma_start3A_980, %dma_start3A_981, %dma_start3A_982] : memref<3x2x64x128xf32, #tpu.memory_space<vmem>> -> memref<1x1x64x128xf32, #tpu.memory_space<vmem>>
      %dma_start3A_984 = tpu.memref_squeeze %dma_start3A_983 : memref<1x1x64x128xf32, #tpu.memory_space<vmem>> -> memref<64x128xf32, #tpu.memory_space<vmem>>
      %dma_start3A_985 = arith.constant 0 : i32
      %dma_start3A_986 = tpu.memref_slice %arg2[%dma_start3A_985, %multiple_of3A_978] : memref<64x1000000xf32, #tpu.memory_space<hbm>> -> memref<64x128xf32, #tpu.memory_space<hbm>>
      %dma_start3A_987 = arith.constant 0 : i32
      %dma_start3A_988 = arith.constant 0 : i32
      %dma_start3A_989 = tpu.memref_slice %arg6[%dma_start3A_979, %dma_start3A_980, %dma_start3A_987, %dma_start3A_988] : memref<3x2x64x128xf32, #tpu.memory_space<vmem>> -> memref<1x1x64x128xf32, #tpu.memory_space<vmem>>
      %dma_start3A_990 = tpu.memref_squeeze %dma_start3A_989 : memref<1x1x64x128xf32, #tpu.memory_space<vmem>> -> memref<64x128xf32, #tpu.memory_space<vmem>>
      %dma_start3A_991 = arith.constant 0 : i32
      %dma_start3A_992 = tpu.memref_slice %arg2[%dma_start3A_991, %multiple_of3A_978] : memref<64x1000000xf32, #tpu.memory_space<hbm>> -> memref<64x128xf32, #tpu.memory_space<hbm>>
      tpu.enqueue_dma source(%dma_start3A_992 : memref<64x128xf32, #tpu.memory_space<hbm>>) target(%dma_start3A_990 : memref<64x128xf32, #tpu.memory_space<vmem>>) target_semaphore(%arg8 : memref<!tpu.dma_semaphore, #tpu.memory_space<semaphore_mem>>)
      %slice3A_993 = vector.extract_strided_slice %shift_left3A_17 {offsets = [13], sizes = [1], strides = [1]} : vector<16xi32> to vector<1xi32>
      %squeeze3A_994 = vector.extract %slice3A_993[0] : i32 from vector<1xi32>
      %multiple_of3A_995 = tpu.assume_multiple %squeeze3A_994, 128 : i32
      %dma_start3A_996 = arith.constant 0 : i32
      %dma_start3A_997 = arith.constant 1 : i32
      %dma_start3A_998 = arith.constant 0 : i32
      %dma_start3A_999 = arith.constant 0 : i32
      %dma_start3A_1000 = tpu.memref_slice %arg6[%dma_start3A_996, %dma_start3A_997, %dma_start3A_998, %dma_start3A_999] : memref<3x2x64x128xf32, #tpu.memory_space<vmem>> -> memref<1x1x64x128xf32, #tpu.memory_space<vmem>>
      %dma_start3A_1001 = tpu.memref_squeeze %dma_start3A_1000 : memref<1x1x64x128xf32, #tpu.memory_space<vmem>> -> memref<64x128xf32, #tpu.memory_space<vmem>>
      %dma_start3A_1002 = arith.constant 0 : i32
      %dma_start3A_1003 = tpu.memref_slice %arg2[%dma_start3A_1002, %multiple_of3A_995] : memref<64x1000000xf32, #tpu.memory_space<hbm>> -> memref<64x128xf32, #tpu.memory_space<hbm>>
      %dma_start3A_1004 = arith.constant 0 : i32
      %dma_start3A_1005 = arith.constant 0 : i32
      %dma_start3A_1006 = tpu.memref_slice %arg6[%dma_start3A_996, %dma_start3A_997, %dma_start3A_1004, %dma_start3A_1005] : memref<3x2x64x128xf32, #tpu.memory_space<vmem>> -> memref<1x1x64x128xf32, #tpu.memory_space<vmem>>
      %dma_start3A_1007 = tpu.memref_squeeze %dma_start3A_1006 : memref<1x1x64x128xf32, #tpu.memory_space<vmem>> -> memref<64x128xf32, #tpu.memory_space<vmem>>
      %dma_start3A_1008 = arith.constant 0 : i32
      %dma_start3A_1009 = tpu.memref_slice %arg2[%dma_start3A_1008, %multiple_of3A_995] : memref<64x1000000xf32, #tpu.memory_space<hbm>> -> memref<64x128xf32, #tpu.memory_space<hbm>>
      tpu.enqueue_dma source(%dma_start3A_1009 : memref<64x128xf32, #tpu.memory_space<hbm>>) target(%dma_start3A_1007 : memref<64x128xf32, #tpu.memory_space<vmem>>) target_semaphore(%arg8 : memref<!tpu.dma_semaphore, #tpu.memory_space<semaphore_mem>>)
      %dma_wait3A_1010 = arith.constant 0 : i32
      %dma_wait3A_1011 = arith.constant 0 : i32
      %dma_wait3A_1012 = arith.constant 0 : i32
      %dma_wait3A_1013 = arith.constant 0 : i32
      %dma_wait3A_1014 = tpu.memref_slice %arg6[%dma_wait3A_1010, %dma_wait3A_1011, %dma_wait3A_1012, %dma_wait3A_1013] : memref<3x2x64x128xf32, #tpu.memory_space<vmem>> -> memref<1x1x64x128xf32, #tpu.memory_space<vmem>>
      %dma_wait3A_1015 = tpu.memref_squeeze %dma_wait3A_1014 : memref<1x1x64x128xf32, #tpu.memory_space<vmem>> -> memref<64x128xf32, #tpu.memory_space<vmem>>
      %dma_wait3A_1016 = arith.constant 0 : i32
      %dma_wait3A_1017 = arith.constant 0 : i32
      %dma_wait3A_1018 = tpu.memref_slice %arg2[%dma_wait3A_1016, %dma_wait3A_1017] : memref<64x1000000xf32, #tpu.memory_space<hbm>> -> memref<64x128xf32, #tpu.memory_space<hbm>>
      %dma_wait3A_1019 = arith.constant 0 : i32
      %dma_wait3A_1020 = arith.constant 0 : i32
      %dma_wait3A_1021 = tpu.memref_slice %arg6[%dma_wait3A_1010, %dma_wait3A_1011, %dma_wait3A_1019, %dma_wait3A_1020] : memref<3x2x64x128xf32, #tpu.memory_space<vmem>> -> memref<1x1x64x128xf32, #tpu.memory_space<vmem>>
      %dma_wait3A_1022 = tpu.memref_squeeze %dma_wait3A_1021 : memref<1x1x64x128xf32, #tpu.memory_space<vmem>> -> memref<64x128xf32, #tpu.memory_space<vmem>>
      %dma_wait3A_1023 = arith.constant 0 : i32
      %dma_wait3A_1024 = arith.constant 0 : i32
      %dma_wait3A_1025 = tpu.memref_slice %arg2[%dma_wait3A_1023, %dma_wait3A_1024] : memref<64x1000000xf32, #tpu.memory_space<hbm>> -> memref<64x128xf32, #tpu.memory_space<hbm>>
      tpu.wait_dma2 semaphore(%arg8 : memref<!tpu.dma_semaphore, #tpu.memory_space<semaphore_mem>>) src(%dma_wait3A_1025 : memref<64x128xf32, #tpu.memory_space<hbm>>) dst(%dma_wait3A_1022 : memref<64x128xf32, #tpu.memory_space<vmem>>)
      %dma_wait3A_1026 = arith.constant 0 : i32
      %dma_wait3A_1027 = arith.constant 1 : i32
      %dma_wait3A_1028 = arith.constant 0 : i32
      %dma_wait3A_1029 = arith.constant 0 : i32
      %dma_wait3A_1030 = tpu.memref_slice %arg6[%dma_wait3A_1026, %dma_wait3A_1027, %dma_wait3A_1028, %dma_wait3A_1029] : memref<3x2x64x128xf32, #tpu.memory_space<vmem>> -> memref<1x1x64x128xf32, #tpu.memory_space<vmem>>
      %dma_wait3A_1031 = tpu.memref_squeeze %dma_wait3A_1030 : memref<1x1x64x128xf32, #tpu.memory_space<vmem>> -> memref<64x128xf32, #tpu.memory_space<vmem>>
      %dma_wait3A_1032 = arith.constant 0 : i32
      %dma_wait3A_1033 = arith.constant 0 : i32
      %dma_wait3A_1034 = tpu.memref_slice %arg2[%dma_wait3A_1032, %dma_wait3A_1033] : memref<64x1000000xf32, #tpu.memory_space<hbm>> -> memref<64x128xf32, #tpu.memory_space<hbm>>
      %dma_wait3A_1035 = arith.constant 0 : i32
      %dma_wait3A_1036 = arith.constant 0 : i32
      %dma_wait3A_1037 = tpu.memref_slice %arg6[%dma_wait3A_1026, %dma_wait3A_1027, %dma_wait3A_1035, %dma_wait3A_1036] : memref<3x2x64x128xf32, #tpu.memory_space<vmem>> -> memref<1x1x64x128xf32, #tpu.memory_space<vmem>>
      %dma_wait3A_1038 = tpu.memref_squeeze %dma_wait3A_1037 : memref<1x1x64x128xf32, #tpu.memory_space<vmem>> -> memref<64x128xf32, #tpu.memory_space<vmem>>
      %dma_wait3A_1039 = arith.constant 0 : i32
      %dma_wait3A_1040 = arith.constant 0 : i32
      %dma_wait3A_1041 = tpu.memref_slice %arg2[%dma_wait3A_1039, %dma_wait3A_1040] : memref<64x1000000xf32, #tpu.memory_space<hbm>> -> memref<64x128xf32, #tpu.memory_space<hbm>>
      tpu.wait_dma2 semaphore(%arg8 : memref<!tpu.dma_semaphore, #tpu.memory_space<semaphore_mem>>) src(%dma_wait3A_1041 : memref<64x128xf32, #tpu.memory_space<hbm>>) dst(%dma_wait3A_1038 : memref<64x128xf32, #tpu.memory_space<vmem>>)
      %slice3A_1042 = vector.extract_strided_slice %and3A_19 {offsets = [8], sizes = [1], strides = [1]} : vector<16xi32> to vector<1xi32>
      %squeeze3A_1043 = vector.extract %slice3A_1042[0] : i32 from vector<1xi32>
      %broadcast_in_dim3A_1044 = vector.broadcast %squeeze3A_1043 : i32 to vector<16xi32>
      %add3A_1045 = arith.constant 0 : i32
      %add3A_1046 = vector.broadcast %add3A_1045 : i32 to vector<16xi32>
      %add3A_1047 = arith.addi %iota3A, %add3A_1046 : vector<16xi32>
      %gather3A_1048 = arith.constant 1 : i32
      %gather3A_1049 = arith.constant 0 : i32
      %gather3A_1050 = arith.constant 0 : i32
      %gather3A_1051 = arith.constant 0 : i32
      %gather3A_1052 = tpu.memref_slice %arg6[%gather3A_1048, %gather3A_1049, %gather3A_1050, %gather3A_1051] : memref<3x2x64x128xf32, #tpu.memory_space<vmem>> -> memref<1x1x64x128xf32, #tpu.memory_space<vmem>>
      %gather3A_1053 = tpu.memref_squeeze %gather3A_1052 : memref<1x1x64x128xf32, #tpu.memory_space<vmem>> -> memref<64x128xf32, #tpu.memory_space<vmem>>
      %gather3A_1054 = tpu.vector_load_idx %gather3A_1053[%add3A_1047, %broadcast_in_dim3A_1044] : memref<64x128xf32, #tpu.memory_space<vmem>>[vector<16xi32>, vector<16xi32>], vector<16xf32>,
      %mul3A_1055 = arith.constant 16 : i32
      %mul3A_1056 = arith.muli %scan3A_9, %mul3A_1055 : i32
      %add3A_1057 = arith.constant 8 : i32
      %add3A_1058 = arith.addi %mul3A_1056, %add3A_1057 : i32
      %add3A_1059 = arith.constant 0 : i32
      %add3A_1060 = arith.addi %add3A_1058, %add3A_1059 : i32
      %swap3A_1061 = arith.index_cast %add3A_1060 : i32 to index
      %swap3A_1062 = arith.constant 0 : index
      %swap3A_1063 = tpu.vector_load %arg7[%swap3A_1061, %swap3A_1062] {strides = array<i32>} : memref<512x64xf32, #tpu.memory_space<vmem>>, vector<16xf32>,
      tpu.vector_store %arg7[%swap3A_1061, %swap3A_1062], %gather3A_1054 {strides = array<i32>} : memref<512x64xf32, #tpu.memory_space<vmem>>, vector<16xf32>,
      %add3A_1064 = arith.constant 16 : i32
      %add3A_1065 = vector.broadcast %add3A_1064 : i32 to vector<16xi32>
      %add3A_1066 = arith.addi %iota3A, %add3A_1065 : vector<16xi32>
      %gather3A_1067 = arith.constant 1 : i32
      %gather3A_1068 = arith.constant 0 : i32
      %gather3A_1069 = arith.constant 0 : i32
      %gather3A_1070 = arith.constant 0 : i32
      %gather3A_1071 = tpu.memref_slice %arg6[%gather3A_1067, %gather3A_1068, %gather3A_1069, %gather3A_1070] : memref<3x2x64x128xf32, #tpu.memory_space<vmem>> -> memref<1x1x64x128xf32, #tpu.memory_space<vmem>>
      %gather3A_1072 = tpu.memref_squeeze %gather3A_1071 : memref<1x1x64x128xf32, #tpu.memory_space<vmem>> -> memref<64x128xf32, #tpu.memory_space<vmem>>
      %gather3A_1073 = tpu.vector_load_idx %gather3A_1072[%add3A_1066, %broadcast_in_dim3A_1044] : memref<64x128xf32, #tpu.memory_space<vmem>>[vector<16xi32>, vector<16xi32>], vector<16xf32>,
      %mul3A_1074 = arith.constant 16 : i32
      %mul3A_1075 = arith.muli %scan3A_9, %mul3A_1074 : i32
      %add3A_1076 = arith.constant 8 : i32
      %add3A_1077 = arith.addi %mul3A_1075, %add3A_1076 : i32
      %add3A_1078 = arith.constant 0 : i32
      %add3A_1079 = arith.addi %add3A_1077, %add3A_1078 : i32
      %swap3A_1080 = arith.index_cast %add3A_1079 : i32 to index
      %swap3A_1081 = arith.constant 16 : index
      %swap3A_1082 = tpu.vector_load %arg7[%swap3A_1080, %swap3A_1081] {strides = array<i32>} : memref<512x64xf32, #tpu.memory_space<vmem>>, vector<16xf32>,
      tpu.vector_store %arg7[%swap3A_1080, %swap3A_1081], %gather3A_1073 {strides = array<i32>} : memref<512x64xf32, #tpu.memory_space<vmem>>, vector<16xf32>,
      %add3A_1083 = arith.constant 32 : i32
      %add3A_1084 = vector.broadcast %add3A_1083 : i32 to vector<16xi32>
      %add3A_1085 = arith.addi %iota3A, %add3A_1084 : vector<16xi32>
      %gather3A_1086 = arith.constant 1 : i32
      %gather3A_1087 = arith.constant 0 : i32
      %gather3A_1088 = arith.constant 0 : i32
      %gather3A_1089 = arith.constant 0 : i32
      %gather3A_1090 = tpu.memref_slice %arg6[%gather3A_1086, %gather3A_1087, %gather3A_1088, %gather3A_1089] : memref<3x2x64x128xf32, #tpu.memory_space<vmem>> -> memref<1x1x64x128xf32, #tpu.memory_space<vmem>>
      %gather3A_1091 = tpu.memref_squeeze %gather3A_1090 : memref<1x1x64x128xf32, #tpu.memory_space<vmem>> -> memref<64x128xf32, #tpu.memory_space<vmem>>
      %gather3A_1092 = tpu.vector_load_idx %gather3A_1091[%add3A_1085, %broadcast_in_dim3A_1044] : memref<64x128xf32, #tpu.memory_space<vmem>>[vector<16xi32>, vector<16xi32>], vector<16xf32>,
      %mul3A_1093 = arith.constant 16 : i32
      %mul3A_1094 = arith.muli %scan3A_9, %mul3A_1093 : i32
      %add3A_1095 = arith.constant 8 : i32
      %add3A_1096 = arith.addi %mul3A_1094, %add3A_1095 : i32
      %add3A_1097 = arith.constant 0 : i32
      %add3A_1098 = arith.addi %add3A_1096, %add3A_1097 : i32
      %swap3A_1099 = arith.index_cast %add3A_1098 : i32 to index
      %swap3A_1100 = arith.constant 32 : index
      %swap3A_1101 = tpu.vector_load %arg7[%swap3A_1099, %swap3A_1100] {strides = array<i32>} : memref<512x64xf32, #tpu.memory_space<vmem>>, vector<16xf32>,
      tpu.vector_store %arg7[%swap3A_1099, %swap3A_1100], %gather3A_1092 {strides = array<i32>} : memref<512x64xf32, #tpu.memory_space<vmem>>, vector<16xf32>,
      %add3A_1102 = arith.constant 48 : i32
      %add3A_1103 = vector.broadcast %add3A_1102 : i32 to vector<16xi32>
      %add3A_1104 = arith.addi %iota3A, %add3A_1103 : vector<16xi32>
      %gather3A_1105 = arith.constant 1 : i32
      %gather3A_1106 = arith.constant 0 : i32
      %gather3A_1107 = arith.constant 0 : i32
      %gather3A_1108 = arith.constant 0 : i32
      %gather3A_1109 = tpu.memref_slice %arg6[%gather3A_1105, %gather3A_1106, %gather3A_1107, %gather3A_1108] : memref<3x2x64x128xf32, #tpu.memory_space<vmem>> -> memref<1x1x64x128xf32, #tpu.memory_space<vmem>>
      %gather3A_1110 = tpu.memref_squeeze %gather3A_1109 : memref<1x1x64x128xf32, #tpu.memory_space<vmem>> -> memref<64x128xf32, #tpu.memory_space<vmem>>
      %gather3A_1111 = tpu.vector_load_idx %gather3A_1110[%add3A_1104, %broadcast_in_dim3A_1044] : memref<64x128xf32, #tpu.memory_space<vmem>>[vector<16xi32>, vector<16xi32>], vector<16xf32>,
      %mul3A_1112 = arith.constant 16 : i32
      %mul3A_1113 = arith.muli %scan3A_9, %mul3A_1112 : i32
      %add3A_1114 = arith.constant 8 : i32
      %add3A_1115 = arith.addi %mul3A_1113, %add3A_1114 : i32
      %add3A_1116 = arith.constant 0 : i32
      %add3A_1117 = arith.addi %add3A_1115, %add3A_1116 : i32
      %swap3A_1118 = arith.index_cast %add3A_1117 : i32 to index
      %swap3A_1119 = arith.constant 48 : index
      %swap3A_1120 = tpu.vector_load %arg7[%swap3A_1118, %swap3A_1119] {strides = array<i32>} : memref<512x64xf32, #tpu.memory_space<vmem>>, vector<16xf32>,
      tpu.vector_store %arg7[%swap3A_1118, %swap3A_1119], %gather3A_1111 {strides = array<i32>} : memref<512x64xf32, #tpu.memory_space<vmem>>, vector<16xf32>,
      %slice3A_1121 = vector.extract_strided_slice %and3A_19 {offsets = [9], sizes = [1], strides = [1]} : vector<16xi32> to vector<1xi32>
      %squeeze3A_1122 = vector.extract %slice3A_1121[0] : i32 from vector<1xi32>
      %broadcast_in_dim3A_1123 = vector.broadcast %squeeze3A_1122 : i32 to vector<16xi32>
      %add3A_1124 = arith.constant 0 : i32
      %add3A_1125 = vector.broadcast %add3A_1124 : i32 to vector<16xi32>
      %add3A_1126 = arith.addi %iota3A, %add3A_1125 : vector<16xi32>
      %gather3A_1127 = arith.constant 1 : i32
      %gather3A_1128 = arith.constant 1 : i32
      %gather3A_1129 = arith.constant 0 : i32
      %gather3A_1130 = arith.constant 0 : i32
      %gather3A_1131 = tpu.memref_slice %arg6[%gather3A_1127, %gather3A_1128, %gather3A_1129, %gather3A_1130] : memref<3x2x64x128xf32, #tpu.memory_space<vmem>> -> memref<1x1x64x128xf32, #tpu.memory_space<vmem>>
      %gather3A_1132 = tpu.memref_squeeze %gather3A_1131 : memref<1x1x64x128xf32, #tpu.memory_space<vmem>> -> memref<64x128xf32, #tpu.memory_space<vmem>>
      %gather3A_1133 = tpu.vector_load_idx %gather3A_1132[%add3A_1126, %broadcast_in_dim3A_1123] : memref<64x128xf32, #tpu.memory_space<vmem>>[vector<16xi32>, vector<16xi32>], vector<16xf32>,
      %mul3A_1134 = arith.constant 16 : i32
      %mul3A_1135 = arith.muli %scan3A_9, %mul3A_1134 : i32
      %add3A_1136 = arith.constant 8 : i32
      %add3A_1137 = arith.addi %mul3A_1135, %add3A_1136 : i32
      %add3A_1138 = arith.constant 1 : i32
      %add3A_1139 = arith.addi %add3A_1137, %add3A_1138 : i32
      %swap3A_1140 = arith.index_cast %add3A_1139 : i32 to index
      %swap3A_1141 = arith.constant 0 : index
      %swap3A_1142 = tpu.vector_load %arg7[%swap3A_1140, %swap3A_1141] {strides = array<i32>} : memref<512x64xf32, #tpu.memory_space<vmem>>, vector<16xf32>,
      tpu.vector_store %arg7[%swap3A_1140, %swap3A_1141], %gather3A_1133 {strides = array<i32>} : memref<512x64xf32, #tpu.memory_space<vmem>>, vector<16xf32>,
      %add3A_1143 = arith.constant 16 : i32
      %add3A_1144 = vector.broadcast %add3A_1143 : i32 to vector<16xi32>
      %add3A_1145 = arith.addi %iota3A, %add3A_1144 : vector<16xi32>
      %gather3A_1146 = arith.constant 1 : i32
      %gather3A_1147 = arith.constant 1 : i32
      %gather3A_1148 = arith.constant 0 : i32
      %gather3A_1149 = arith.constant 0 : i32
      %gather3A_1150 = tpu.memref_slice %arg6[%gather3A_1146, %gather3A_1147, %gather3A_1148, %gather3A_1149] : memref<3x2x64x128xf32, #tpu.memory_space<vmem>> -> memref<1x1x64x128xf32, #tpu.memory_space<vmem>>
      %gather3A_1151 = tpu.memref_squeeze %gather3A_1150 : memref<1x1x64x128xf32, #tpu.memory_space<vmem>> -> memref<64x128xf32, #tpu.memory_space<vmem>>
      %gather3A_1152 = tpu.vector_load_idx %gather3A_1151[%add3A_1145, %broadcast_in_dim3A_1123] : memref<64x128xf32, #tpu.memory_space<vmem>>[vector<16xi32>, vector<16xi32>], vector<16xf32>,
      %mul3A_1153 = arith.constant 16 : i32
      %mul3A_1154 = arith.muli %scan3A_9, %mul3A_1153 : i32
      %add3A_1155 = arith.constant 8 : i32
      %add3A_1156 = arith.addi %mul3A_1154, %add3A_1155 : i32
      %add3A_1157 = arith.constant 1 : i32
      %add3A_1158 = arith.addi %add3A_1156, %add3A_1157 : i32
      %swap3A_1159 = arith.index_cast %add3A_1158 : i32 to index
      %swap3A_1160 = arith.constant 16 : index
      %swap3A_1161 = tpu.vector_load %arg7[%swap3A_1159, %swap3A_1160] {strides = array<i32>} : memref<512x64xf32, #tpu.memory_space<vmem>>, vector<16xf32>,
      tpu.vector_store %arg7[%swap3A_1159, %swap3A_1160], %gather3A_1152 {strides = array<i32>} : memref<512x64xf32, #tpu.memory_space<vmem>>, vector<16xf32>,
      %add3A_1162 = arith.constant 32 : i32
      %add3A_1163 = vector.broadcast %add3A_1162 : i32 to vector<16xi32>
      %add3A_1164 = arith.addi %iota3A, %add3A_1163 : vector<16xi32>
      %gather3A_1165 = arith.constant 1 : i32
      %gather3A_1166 = arith.constant 1 : i32
      %gather3A_1167 = arith.constant 0 : i32
      %gather3A_1168 = arith.constant 0 : i32
      %gather3A_1169 = tpu.memref_slice %arg6[%gather3A_1165, %gather3A_1166, %gather3A_1167, %gather3A_1168] : memref<3x2x64x128xf32, #tpu.memory_space<vmem>> -> memref<1x1x64x128xf32, #tpu.memory_space<vmem>>
      %gather3A_1170 = tpu.memref_squeeze %gather3A_1169 : memref<1x1x64x128xf32, #tpu.memory_space<vmem>> -> memref<64x128xf32, #tpu.memory_space<vmem>>
      %gather3A_1171 = tpu.vector_load_idx %gather3A_1170[%add3A_1164, %broadcast_in_dim3A_1123] : memref<64x128xf32, #tpu.memory_space<vmem>>[vector<16xi32>, vector<16xi32>], vector<16xf32>,
      %mul3A_1172 = arith.constant 16 : i32
      %mul3A_1173 = arith.muli %scan3A_9, %mul3A_1172 : i32
      %add3A_1174 = arith.constant 8 : i32
      %add3A_1175 = arith.addi %mul3A_1173, %add3A_1174 : i32
      %add3A_1176 = arith.constant 1 : i32
      %add3A_1177 = arith.addi %add3A_1175, %add3A_1176 : i32
      %swap3A_1178 = arith.index_cast %add3A_1177 : i32 to index
      %swap3A_1179 = arith.constant 32 : index
      %swap3A_1180 = tpu.vector_load %arg7[%swap3A_1178, %swap3A_1179] {strides = array<i32>} : memref<512x64xf32, #tpu.memory_space<vmem>>, vector<16xf32>,
      tpu.vector_store %arg7[%swap3A_1178, %swap3A_1179], %gather3A_1171 {strides = array<i32>} : memref<512x64xf32, #tpu.memory_space<vmem>>, vector<16xf32>,
      %add3A_1181 = arith.constant 48 : i32
      %add3A_1182 = vector.broadcast %add3A_1181 : i32 to vector<16xi32>
      %add3A_1183 = arith.addi %iota3A, %add3A_1182 : vector<16xi32>
      %gather3A_1184 = arith.constant 1 : i32
      %gather3A_1185 = arith.constant 1 : i32
      %gather3A_1186 = arith.constant 0 : i32
      %gather3A_1187 = arith.constant 0 : i32
      %gather3A_1188 = tpu.memref_slice %arg6[%gather3A_1184, %gather3A_1185, %gather3A_1186, %gather3A_1187] : memref<3x2x64x128xf32, #tpu.memory_space<vmem>> -> memref<1x1x64x128xf32, #tpu.memory_space<vmem>>
      %gather3A_1189 = tpu.memref_squeeze %gather3A_1188 : memref<1x1x64x128xf32, #tpu.memory_space<vmem>> -> memref<64x128xf32, #tpu.memory_space<vmem>>
      %gather3A_1190 = tpu.vector_load_idx %gather3A_1189[%add3A_1183, %broadcast_in_dim3A_1123] : memref<64x128xf32, #tpu.memory_space<vmem>>[vector<16xi32>, vector<16xi32>], vector<16xf32>,
      %mul3A_1191 = arith.constant 16 : i32
      %mul3A_1192 = arith.muli %scan3A_9, %mul3A_1191 : i32
      %add3A_1193 = arith.constant 8 : i32
      %add3A_1194 = arith.addi %mul3A_1192, %add3A_1193 : i32
      %add3A_1195 = arith.constant 1 : i32
      %add3A_1196 = arith.addi %add3A_1194, %add3A_1195 : i32
      %swap3A_1197 = arith.index_cast %add3A_1196 : i32 to index
      %swap3A_1198 = arith.constant 48 : index
      %swap3A_1199 = tpu.vector_load %arg7[%swap3A_1197, %swap3A_1198] {strides = array<i32>} : memref<512x64xf32, #tpu.memory_space<vmem>>, vector<16xf32>,
      tpu.vector_store %arg7[%swap3A_1197, %swap3A_1198], %gather3A_1190 {strides = array<i32>} : memref<512x64xf32, #tpu.memory_space<vmem>>, vector<16xf32>,
      %slice3A_1200 = vector.extract_strided_slice %shift_left3A_17 {offsets = [14], sizes = [1], strides = [1]} : vector<16xi32> to vector<1xi32>
      %squeeze3A_1201 = vector.extract %slice3A_1200[0] : i32 from vector<1xi32>
      %multiple_of3A_1202 = tpu.assume_multiple %squeeze3A_1201, 128 : i32
      %dma_start3A_1203 = arith.constant 1 : i32
      %dma_start3A_1204 = arith.constant 0 : i32
      %dma_start3A_1205 = arith.constant 0 : i32
      %dma_start3A_1206 = arith.constant 0 : i32
      %dma_start3A_1207 = tpu.memref_slice %arg6[%dma_start3A_1203, %dma_start3A_1204, %dma_start3A_1205, %dma_start3A_1206] : memref<3x2x64x128xf32, #tpu.memory_space<vmem>> -> memref<1x1x64x128xf32, #tpu.memory_space<vmem>>
      %dma_start3A_1208 = tpu.memref_squeeze %dma_start3A_1207 : memref<1x1x64x128xf32, #tpu.memory_space<vmem>> -> memref<64x128xf32, #tpu.memory_space<vmem>>
      %dma_start3A_1209 = arith.constant 0 : i32
      %dma_start3A_1210 = tpu.memref_slice %arg2[%dma_start3A_1209, %multiple_of3A_1202] : memref<64x1000000xf32, #tpu.memory_space<hbm>> -> memref<64x128xf32, #tpu.memory_space<hbm>>
      %dma_start3A_1211 = arith.constant 0 : i32
      %dma_start3A_1212 = arith.constant 0 : i32
      %dma_start3A_1213 = tpu.memref_slice %arg6[%dma_start3A_1203, %dma_start3A_1204, %dma_start3A_1211, %dma_start3A_1212] : memref<3x2x64x128xf32, #tpu.memory_space<vmem>> -> memref<1x1x64x128xf32, #tpu.memory_space<vmem>>
      %dma_start3A_1214 = tpu.memref_squeeze %dma_start3A_1213 : memref<1x1x64x128xf32, #tpu.memory_space<vmem>> -> memref<64x128xf32, #tpu.memory_space<vmem>>
      %dma_start3A_1215 = arith.constant 0 : i32
      %dma_start3A_1216 = tpu.memref_slice %arg2[%dma_start3A_1215, %multiple_of3A_1202] : memref<64x1000000xf32, #tpu.memory_space<hbm>> -> memref<64x128xf32, #tpu.memory_space<hbm>>
      tpu.enqueue_dma source(%dma_start3A_1216 : memref<64x128xf32, #tpu.memory_space<hbm>>) target(%dma_start3A_1214 : memref<64x128xf32, #tpu.memory_space<vmem>>) target_semaphore(%arg8 : memref<!tpu.dma_semaphore, #tpu.memory_space<semaphore_mem>>)
      %slice3A_1217 = vector.extract_strided_slice %shift_left3A_17 {offsets = [15], sizes = [1], strides = [1]} : vector<16xi32> to vector<1xi32>
      %squeeze3A_1218 = vector.extract %slice3A_1217[0] : i32 from vector<1xi32>
      %multiple_of3A_1219 = tpu.assume_multiple %squeeze3A_1218, 128 : i32
      %dma_start3A_1220 = arith.constant 1 : i32
      %dma_start3A_1221 = arith.constant 1 : i32
      %dma_start3A_1222 = arith.constant 0 : i32
      %dma_start3A_1223 = arith.constant 0 : i32
      %dma_start3A_1224 = tpu.memref_slice %arg6[%dma_start3A_1220, %dma_start3A_1221, %dma_start3A_1222, %dma_start3A_1223] : memref<3x2x64x128xf32, #tpu.memory_space<vmem>> -> memref<1x1x64x128xf32, #tpu.memory_space<vmem>>
      %dma_start3A_1225 = tpu.memref_squeeze %dma_start3A_1224 : memref<1x1x64x128xf32, #tpu.memory_space<vmem>> -> memref<64x128xf32, #tpu.memory_space<vmem>>
      %dma_start3A_1226 = arith.constant 0 : i32
      %dma_start3A_1227 = tpu.memref_slice %arg2[%dma_start3A_1226, %multiple_of3A_1219] : memref<64x1000000xf32, #tpu.memory_space<hbm>> -> memref<64x128xf32, #tpu.memory_space<hbm>>
      %dma_start3A_1228 = arith.constant 0 : i32
      %dma_start3A_1229 = arith.constant 0 : i32
      %dma_start3A_1230 = tpu.memref_slice %arg6[%dma_start3A_1220, %dma_start3A_1221, %dma_start3A_1228, %dma_start3A_1229] : memref<3x2x64x128xf32, #tpu.memory_space<vmem>> -> memref<1x1x64x128xf32, #tpu.memory_space<vmem>>
      %dma_start3A_1231 = tpu.memref_squeeze %dma_start3A_1230 : memref<1x1x64x128xf32, #tpu.memory_space<vmem>> -> memref<64x128xf32, #tpu.memory_space<vmem>>
      %dma_start3A_1232 = arith.constant 0 : i32
      %dma_start3A_1233 = tpu.memref_slice %arg2[%dma_start3A_1232, %multiple_of3A_1219] : memref<64x1000000xf32, #tpu.memory_space<hbm>> -> memref<64x128xf32, #tpu.memory_space<hbm>>
      tpu.enqueue_dma source(%dma_start3A_1233 : memref<64x128xf32, #tpu.memory_space<hbm>>) target(%dma_start3A_1231 : memref<64x128xf32, #tpu.memory_space<vmem>>) target_semaphore(%arg8 : memref<!tpu.dma_semaphore, #tpu.memory_space<semaphore_mem>>)
      %dma_wait3A_1234 = arith.constant 0 : i32
      %dma_wait3A_1235 = arith.constant 0 : i32
      %dma_wait3A_1236 = arith.constant 0 : i32
      %dma_wait3A_1237 = arith.constant 0 : i32
      %dma_wait3A_1238 = tpu.memref_slice %arg6[%dma_wait3A_1234, %dma_wait3A_1235, %dma_wait3A_1236, %dma_wait3A_1237] : memref<3x2x64x128xf32, #tpu.memory_space<vmem>> -> memref<1x1x64x128xf32, #tpu.memory_space<vmem>>
      %dma_wait3A_1239 = tpu.memref_squeeze %dma_wait3A_1238 : memref<1x1x64x128xf32, #tpu.memory_space<vmem>> -> memref<64x128xf32, #tpu.memory_space<vmem>>
      %dma_wait3A_1240 = arith.constant 0 : i32
      %dma_wait3A_1241 = arith.constant 0 : i32
      %dma_wait3A_1242 = tpu.memref_slice %arg2[%dma_wait3A_1240, %dma_wait3A_1241] : memref<64x1000000xf32, #tpu.memory_space<hbm>> -> memref<64x128xf32, #tpu.memory_space<hbm>>
      %dma_wait3A_1243 = arith.constant 0 : i32
      %dma_wait3A_1244 = arith.constant 0 : i32
      %dma_wait3A_1245 = tpu.memref_slice %arg6[%dma_wait3A_1234, %dma_wait3A_1235, %dma_wait3A_1243, %dma_wait3A_1244] : memref<3x2x64x128xf32, #tpu.memory_space<vmem>> -> memref<1x1x64x128xf32, #tpu.memory_space<vmem>>
      %dma_wait3A_1246 = tpu.memref_squeeze %dma_wait3A_1245 : memref<1x1x64x128xf32, #tpu.memory_space<vmem>> -> memref<64x128xf32, #tpu.memory_space<vmem>>
      %dma_wait3A_1247 = arith.constant 0 : i32
      %dma_wait3A_1248 = arith.constant 0 : i32
      %dma_wait3A_1249 = tpu.memref_slice %arg2[%dma_wait3A_1247, %dma_wait3A_1248] : memref<64x1000000xf32, #tpu.memory_space<hbm>> -> memref<64x128xf32, #tpu.memory_space<hbm>>
      tpu.wait_dma2 semaphore(%arg8 : memref<!tpu.dma_semaphore, #tpu.memory_space<semaphore_mem>>) src(%dma_wait3A_1249 : memref<64x128xf32, #tpu.memory_space<hbm>>) dst(%dma_wait3A_1246 : memref<64x128xf32, #tpu.memory_space<vmem>>)
      %dma_wait3A_1250 = arith.constant 0 : i32
      %dma_wait3A_1251 = arith.constant 1 : i32
      %dma_wait3A_1252 = arith.constant 0 : i32
      %dma_wait3A_1253 = arith.constant 0 : i32
      %dma_wait3A_1254 = tpu.memref_slice %arg6[%dma_wait3A_1250, %dma_wait3A_1251, %dma_wait3A_1252, %dma_wait3A_1253] : memref<3x2x64x128xf32, #tpu.memory_space<vmem>> -> memref<1x1x64x128xf32, #tpu.memory_space<vmem>>
      %dma_wait3A_1255 = tpu.memref_squeeze %dma_wait3A_1254 : memref<1x1x64x128xf32, #tpu.memory_space<vmem>> -> memref<64x128xf32, #tpu.memory_space<vmem>>
      %dma_wait3A_1256 = arith.constant 0 : i32
      %dma_wait3A_1257 = arith.constant 0 : i32
      %dma_wait3A_1258 = tpu.memref_slice %arg2[%dma_wait3A_1256, %dma_wait3A_1257] : memref<64x1000000xf32, #tpu.memory_space<hbm>> -> memref<64x128xf32, #tpu.memory_space<hbm>>
      %dma_wait3A_1259 = arith.constant 0 : i32
      %dma_wait3A_1260 = arith.constant 0 : i32
      %dma_wait3A_1261 = tpu.memref_slice %arg6[%dma_wait3A_1250, %dma_wait3A_1251, %dma_wait3A_1259, %dma_wait3A_1260] : memref<3x2x64x128xf32, #tpu.memory_space<vmem>> -> memref<1x1x64x128xf32, #tpu.memory_space<vmem>>
      %dma_wait3A_1262 = tpu.memref_squeeze %dma_wait3A_1261 : memref<1x1x64x128xf32, #tpu.memory_space<vmem>> -> memref<64x128xf32, #tpu.memory_space<vmem>>
      %dma_wait3A_1263 = arith.constant 0 : i32
      %dma_wait3A_1264 = arith.constant 0 : i32
      %dma_wait3A_1265 = tpu.memref_slice %arg2[%dma_wait3A_1263, %dma_wait3A_1264] : memref<64x1000000xf32, #tpu.memory_space<hbm>> -> memref<64x128xf32, #tpu.memory_space<hbm>>
      tpu.wait_dma2 semaphore(%arg8 : memref<!tpu.dma_semaphore, #tpu.memory_space<semaphore_mem>>) src(%dma_wait3A_1265 : memref<64x128xf32, #tpu.memory_space<hbm>>) dst(%dma_wait3A_1262 : memref<64x128xf32, #tpu.memory_space<vmem>>)
      %slice3A_1266 = vector.extract_strided_slice %and3A_19 {offsets = [10], sizes = [1], strides = [1]} : vector<16xi32> to vector<1xi32>
      %squeeze3A_1267 = vector.extract %slice3A_1266[0] : i32 from vector<1xi32>
      %broadcast_in_dim3A_1268 = vector.broadcast %squeeze3A_1267 : i32 to vector<16xi32>
      %add3A_1269 = arith.constant 0 : i32
      %add3A_1270 = vector.broadcast %add3A_1269 : i32 to vector<16xi32>
      %add3A_1271 = arith.addi %iota3A, %add3A_1270 : vector<16xi32>
      %gather3A_1272 = arith.constant 2 : i32
      %gather3A_1273 = arith.constant 0 : i32
      %gather3A_1274 = arith.constant 0 : i32
      %gather3A_1275 = arith.constant 0 : i32
      %gather3A_1276 = tpu.memref_slice %arg6[%gather3A_1272, %gather3A_1273, %gather3A_1274, %gather3A_1275] : memref<3x2x64x128xf32, #tpu.memory_space<vmem>> -> memref<1x1x64x128xf32, #tpu.memory_space<vmem>>
      %gather3A_1277 = tpu.memref_squeeze %gather3A_1276 : memref<1x1x64x128xf32, #tpu.memory_space<vmem>> -> memref<64x128xf32, #tpu.memory_space<vmem>>
      %gather3A_1278 = tpu.vector_load_idx %gather3A_1277[%add3A_1271, %broadcast_in_dim3A_1268] : memref<64x128xf32, #tpu.memory_space<vmem>>[vector<16xi32>, vector<16xi32>], vector<16xf32>,
      %mul3A_1279 = arith.constant 16 : i32
      %mul3A_1280 = arith.muli %scan3A_9, %mul3A_1279 : i32
      %add3A_1281 = arith.constant 10 : i32
      %add3A_1282 = arith.addi %mul3A_1280, %add3A_1281 : i32
      %add3A_1283 = arith.constant 0 : i32
      %add3A_1284 = arith.addi %add3A_1282, %add3A_1283 : i32
      %swap3A_1285 = arith.index_cast %add3A_1284 : i32 to index
      %swap3A_1286 = arith.constant 0 : index
      %swap3A_1287 = tpu.vector_load %arg7[%swap3A_1285, %swap3A_1286] {strides = array<i32>} : memref<512x64xf32, #tpu.memory_space<vmem>>, vector<16xf32>,
      tpu.vector_store %arg7[%swap3A_1285, %swap3A_1286], %gather3A_1278 {strides = array<i32>} : memref<512x64xf32, #tpu.memory_space<vmem>>, vector<16xf32>,
      %add3A_1288 = arith.constant 16 : i32
      %add3A_1289 = vector.broadcast %add3A_1288 : i32 to vector<16xi32>
      %add3A_1290 = arith.addi %iota3A, %add3A_1289 : vector<16xi32>
      %gather3A_1291 = arith.constant 2 : i32
      %gather3A_1292 = arith.constant 0 : i32
      %gather3A_1293 = arith.constant 0 : i32
      %gather3A_1294 = arith.constant 0 : i32
      %gather3A_1295 = tpu.memref_slice %arg6[%gather3A_1291, %gather3A_1292, %gather3A_1293, %gather3A_1294] : memref<3x2x64x128xf32, #tpu.memory_space<vmem>> -> memref<1x1x64x128xf32, #tpu.memory_space<vmem>>
      %gather3A_1296 = tpu.memref_squeeze %gather3A_1295 : memref<1x1x64x128xf32, #tpu.memory_space<vmem>> -> memref<64x128xf32, #tpu.memory_space<vmem>>
      %gather3A_1297 = tpu.vector_load_idx %gather3A_1296[%add3A_1290, %broadcast_in_dim3A_1268] : memref<64x128xf32, #tpu.memory_space<vmem>>[vector<16xi32>, vector<16xi32>], vector<16xf32>,
      %mul3A_1298 = arith.constant 16 : i32
      %mul3A_1299 = arith.muli %scan3A_9, %mul3A_1298 : i32
      %add3A_1300 = arith.constant 10 : i32
      %add3A_1301 = arith.addi %mul3A_1299, %add3A_1300 : i32
      %add3A_1302 = arith.constant 0 : i32
      %add3A_1303 = arith.addi %add3A_1301, %add3A_1302 : i32
      %swap3A_1304 = arith.index_cast %add3A_1303 : i32 to index
      %swap3A_1305 = arith.constant 16 : index
      %swap3A_1306 = tpu.vector_load %arg7[%swap3A_1304, %swap3A_1305] {strides = array<i32>} : memref<512x64xf32, #tpu.memory_space<vmem>>, vector<16xf32>,
      tpu.vector_store %arg7[%swap3A_1304, %swap3A_1305], %gather3A_1297 {strides = array<i32>} : memref<512x64xf32, #tpu.memory_space<vmem>>, vector<16xf32>,
      %add3A_1307 = arith.constant 32 : i32
      %add3A_1308 = vector.broadcast %add3A_1307 : i32 to vector<16xi32>
      %add3A_1309 = arith.addi %iota3A, %add3A_1308 : vector<16xi32>
      %gather3A_1310 = arith.constant 2 : i32
      %gather3A_1311 = arith.constant 0 : i32
      %gather3A_1312 = arith.constant 0 : i32
      %gather3A_1313 = arith.constant 0 : i32
      %gather3A_1314 = tpu.memref_slice %arg6[%gather3A_1310, %gather3A_1311, %gather3A_1312, %gather3A_1313] : memref<3x2x64x128xf32, #tpu.memory_space<vmem>> -> memref<1x1x64x128xf32, #tpu.memory_space<vmem>>
      %gather3A_1315 = tpu.memref_squeeze %gather3A_1314 : memref<1x1x64x128xf32, #tpu.memory_space<vmem>> -> memref<64x128xf32, #tpu.memory_space<vmem>>
      %gather3A_1316 = tpu.vector_load_idx %gather3A_1315[%add3A_1309, %broadcast_in_dim3A_1268] : memref<64x128xf32, #tpu.memory_space<vmem>>[vector<16xi32>, vector<16xi32>], vector<16xf32>,
      %mul3A_1317 = arith.constant 16 : i32
      %mul3A_1318 = arith.muli %scan3A_9, %mul3A_1317 : i32
      %add3A_1319 = arith.constant 10 : i32
      %add3A_1320 = arith.addi %mul3A_1318, %add3A_1319 : i32
      %add3A_1321 = arith.constant 0 : i32
      %add3A_1322 = arith.addi %add3A_1320, %add3A_1321 : i32
      %swap3A_1323 = arith.index_cast %add3A_1322 : i32 to index
      %swap3A_1324 = arith.constant 32 : index
      %swap3A_1325 = tpu.vector_load %arg7[%swap3A_1323, %swap3A_1324] {strides = array<i32>} : memref<512x64xf32, #tpu.memory_space<vmem>>, vector<16xf32>,
      tpu.vector_store %arg7[%swap3A_1323, %swap3A_1324], %gather3A_1316 {strides = array<i32>} : memref<512x64xf32, #tpu.memory_space<vmem>>, vector<16xf32>,
      %add3A_1326 = arith.constant 48 : i32
      %add3A_1327 = vector.broadcast %add3A_1326 : i32 to vector<16xi32>
      %add3A_1328 = arith.addi %iota3A, %add3A_1327 : vector<16xi32>
      %gather3A_1329 = arith.constant 2 : i32
      %gather3A_1330 = arith.constant 0 : i32
      %gather3A_1331 = arith.constant 0 : i32
      %gather3A_1332 = arith.constant 0 : i32
      %gather3A_1333 = tpu.memref_slice %arg6[%gather3A_1329, %gather3A_1330, %gather3A_1331, %gather3A_1332] : memref<3x2x64x128xf32, #tpu.memory_space<vmem>> -> memref<1x1x64x128xf32, #tpu.memory_space<vmem>>
      %gather3A_1334 = tpu.memref_squeeze %gather3A_1333 : memref<1x1x64x128xf32, #tpu.memory_space<vmem>> -> memref<64x128xf32, #tpu.memory_space<vmem>>
      %gather3A_1335 = tpu.vector_load_idx %gather3A_1334[%add3A_1328, %broadcast_in_dim3A_1268] : memref<64x128xf32, #tpu.memory_space<vmem>>[vector<16xi32>, vector<16xi32>], vector<16xf32>,
      %mul3A_1336 = arith.constant 16 : i32
      %mul3A_1337 = arith.muli %scan3A_9, %mul3A_1336 : i32
      %add3A_1338 = arith.constant 10 : i32
      %add3A_1339 = arith.addi %mul3A_1337, %add3A_1338 : i32
      %add3A_1340 = arith.constant 0 : i32
      %add3A_1341 = arith.addi %add3A_1339, %add3A_1340 : i32
      %swap3A_1342 = arith.index_cast %add3A_1341 : i32 to index
      %swap3A_1343 = arith.constant 48 : index
      %swap3A_1344 = tpu.vector_load %arg7[%swap3A_1342, %swap3A_1343] {strides = array<i32>} : memref<512x64xf32, #tpu.memory_space<vmem>>, vector<16xf32>,
      tpu.vector_store %arg7[%swap3A_1342, %swap3A_1343], %gather3A_1335 {strides = array<i32>} : memref<512x64xf32, #tpu.memory_space<vmem>>, vector<16xf32>,
      %slice3A_1345 = vector.extract_strided_slice %and3A_19 {offsets = [11], sizes = [1], strides = [1]} : vector<16xi32> to vector<1xi32>
      %squeeze3A_1346 = vector.extract %slice3A_1345[0] : i32 from vector<1xi32>
      %broadcast_in_dim3A_1347 = vector.broadcast %squeeze3A_1346 : i32 to vector<16xi32>
      %add3A_1348 = arith.constant 0 : i32
      %add3A_1349 = vector.broadcast %add3A_1348 : i32 to vector<16xi32>
      %add3A_1350 = arith.addi %iota3A, %add3A_1349 : vector<16xi32>
      %gather3A_1351 = arith.constant 2 : i32
      %gather3A_1352 = arith.constant 1 : i32
      %gather3A_1353 = arith.constant 0 : i32
      %gather3A_1354 = arith.constant 0 : i32
      %gather3A_1355 = tpu.memref_slice %arg6[%gather3A_1351, %gather3A_1352, %gather3A_1353, %gather3A_1354] : memref<3x2x64x128xf32, #tpu.memory_space<vmem>> -> memref<1x1x64x128xf32, #tpu.memory_space<vmem>>
      %gather3A_1356 = tpu.memref_squeeze %gather3A_1355 : memref<1x1x64x128xf32, #tpu.memory_space<vmem>> -> memref<64x128xf32, #tpu.memory_space<vmem>>
      %gather3A_1357 = tpu.vector_load_idx %gather3A_1356[%add3A_1350, %broadcast_in_dim3A_1347] : memref<64x128xf32, #tpu.memory_space<vmem>>[vector<16xi32>, vector<16xi32>], vector<16xf32>,
      %mul3A_1358 = arith.constant 16 : i32
      %mul3A_1359 = arith.muli %scan3A_9, %mul3A_1358 : i32
      %add3A_1360 = arith.constant 10 : i32
      %add3A_1361 = arith.addi %mul3A_1359, %add3A_1360 : i32
      %add3A_1362 = arith.constant 1 : i32
      %add3A_1363 = arith.addi %add3A_1361, %add3A_1362 : i32
      %swap3A_1364 = arith.index_cast %add3A_1363 : i32 to index
      %swap3A_1365 = arith.constant 0 : index
      %swap3A_1366 = tpu.vector_load %arg7[%swap3A_1364, %swap3A_1365] {strides = array<i32>} : memref<512x64xf32, #tpu.memory_space<vmem>>, vector<16xf32>,
      tpu.vector_store %arg7[%swap3A_1364, %swap3A_1365], %gather3A_1357 {strides = array<i32>} : memref<512x64xf32, #tpu.memory_space<vmem>>, vector<16xf32>,
      %add3A_1367 = arith.constant 16 : i32
      %add3A_1368 = vector.broadcast %add3A_1367 : i32 to vector<16xi32>
      %add3A_1369 = arith.addi %iota3A, %add3A_1368 : vector<16xi32>
      %gather3A_1370 = arith.constant 2 : i32
      %gather3A_1371 = arith.constant 1 : i32
      %gather3A_1372 = arith.constant 0 : i32
      %gather3A_1373 = arith.constant 0 : i32
      %gather3A_1374 = tpu.memref_slice %arg6[%gather3A_1370, %gather3A_1371, %gather3A_1372, %gather3A_1373] : memref<3x2x64x128xf32, #tpu.memory_space<vmem>> -> memref<1x1x64x128xf32, #tpu.memory_space<vmem>>
      %gather3A_1375 = tpu.memref_squeeze %gather3A_1374 : memref<1x1x64x128xf32, #tpu.memory_space<vmem>> -> memref<64x128xf32, #tpu.memory_space<vmem>>
      %gather3A_1376 = tpu.vector_load_idx %gather3A_1375[%add3A_1369, %broadcast_in_dim3A_1347] : memref<64x128xf32, #tpu.memory_space<vmem>>[vector<16xi32>, vector<16xi32>], vector<16xf32>,
      %mul3A_1377 = arith.constant 16 : i32
      %mul3A_1378 = arith.muli %scan3A_9, %mul3A_1377 : i32
      %add3A_1379 = arith.constant 10 : i32
      %add3A_1380 = arith.addi %mul3A_1378, %add3A_1379 : i32
      %add3A_1381 = arith.constant 1 : i32
      %add3A_1382 = arith.addi %add3A_1380, %add3A_1381 : i32
      %swap3A_1383 = arith.index_cast %add3A_1382 : i32 to index
      %swap3A_1384 = arith.constant 16 : index
      %swap3A_1385 = tpu.vector_load %arg7[%swap3A_1383, %swap3A_1384] {strides = array<i32>} : memref<512x64xf32, #tpu.memory_space<vmem>>, vector<16xf32>,
      tpu.vector_store %arg7[%swap3A_1383, %swap3A_1384], %gather3A_1376 {strides = array<i32>} : memref<512x64xf32, #tpu.memory_space<vmem>>, vector<16xf32>,
      %add3A_1386 = arith.constant 32 : i32
      %add3A_1387 = vector.broadcast %add3A_1386 : i32 to vector<16xi32>
      %add3A_1388 = arith.addi %iota3A, %add3A_1387 : vector<16xi32>
      %gather3A_1389 = arith.constant 2 : i32
      %gather3A_1390 = arith.constant 1 : i32
      %gather3A_1391 = arith.constant 0 : i32
      %gather3A_1392 = arith.constant 0 : i32
      %gather3A_1393 = tpu.memref_slice %arg6[%gather3A_1389, %gather3A_1390, %gather3A_1391, %gather3A_1392] : memref<3x2x64x128xf32, #tpu.memory_space<vmem>> -> memref<1x1x64x128xf32, #tpu.memory_space<vmem>>
      %gather3A_1394 = tpu.memref_squeeze %gather3A_1393 : memref<1x1x64x128xf32, #tpu.memory_space<vmem>> -> memref<64x128xf32, #tpu.memory_space<vmem>>
      %gather3A_1395 = tpu.vector_load_idx %gather3A_1394[%add3A_1388, %broadcast_in_dim3A_1347] : memref<64x128xf32, #tpu.memory_space<vmem>>[vector<16xi32>, vector<16xi32>], vector<16xf32>,
      %mul3A_1396 = arith.constant 16 : i32
      %mul3A_1397 = arith.muli %scan3A_9, %mul3A_1396 : i32
      %add3A_1398 = arith.constant 10 : i32
      %add3A_1399 = arith.addi %mul3A_1397, %add3A_1398 : i32
      %add3A_1400 = arith.constant 1 : i32
      %add3A_1401 = arith.addi %add3A_1399, %add3A_1400 : i32
      %swap3A_1402 = arith.index_cast %add3A_1401 : i32 to index
      %swap3A_1403 = arith.constant 32 : index
      %swap3A_1404 = tpu.vector_load %arg7[%swap3A_1402, %swap3A_1403] {strides = array<i32>} : memref<512x64xf32, #tpu.memory_space<vmem>>, vector<16xf32>,
      tpu.vector_store %arg7[%swap3A_1402, %swap3A_1403], %gather3A_1395 {strides = array<i32>} : memref<512x64xf32, #tpu.memory_space<vmem>>, vector<16xf32>,
      %add3A_1405 = arith.constant 48 : i32
      %add3A_1406 = vector.broadcast %add3A_1405 : i32 to vector<16xi32>
      %add3A_1407 = arith.addi %iota3A, %add3A_1406 : vector<16xi32>
      %gather3A_1408 = arith.constant 2 : i32
      %gather3A_1409 = arith.constant 1 : i32
      %gather3A_1410 = arith.constant 0 : i32
      %gather3A_1411 = arith.constant 0 : i32
      %gather3A_1412 = tpu.memref_slice %arg6[%gather3A_1408, %gather3A_1409, %gather3A_1410, %gather3A_1411] : memref<3x2x64x128xf32, #tpu.memory_space<vmem>> -> memref<1x1x64x128xf32, #tpu.memory_space<vmem>>
      %gather3A_1413 = tpu.memref_squeeze %gather3A_1412 : memref<1x1x64x128xf32, #tpu.memory_space<vmem>> -> memref<64x128xf32, #tpu.memory_space<vmem>>
      %gather3A_1414 = tpu.vector_load_idx %gather3A_1413[%add3A_1407, %broadcast_in_dim3A_1347] : memref<64x128xf32, #tpu.memory_space<vmem>>[vector<16xi32>, vector<16xi32>], vector<16xf32>,
      %mul3A_1415 = arith.constant 16 : i32
      %mul3A_1416 = arith.muli %scan3A_9, %mul3A_1415 : i32
      %add3A_1417 = arith.constant 10 : i32
      %add3A_1418 = arith.addi %mul3A_1416, %add3A_1417 : i32
      %add3A_1419 = arith.constant 1 : i32
      %add3A_1420 = arith.addi %add3A_1418, %add3A_1419 : i32
      %swap3A_1421 = arith.index_cast %add3A_1420 : i32 to index
      %swap3A_1422 = arith.constant 48 : index
      %swap3A_1423 = tpu.vector_load %arg7[%swap3A_1421, %swap3A_1422] {strides = array<i32>} : memref<512x64xf32, #tpu.memory_space<vmem>>, vector<16xf32>,
      tpu.vector_store %arg7[%swap3A_1421, %swap3A_1422], %gather3A_1414 {strides = array<i32>} : memref<512x64xf32, #tpu.memory_space<vmem>>, vector<16xf32>,
      %dma_wait3A_1424 = arith.constant 0 : i32
      %dma_wait3A_1425 = arith.constant 0 : i32
      %dma_wait3A_1426 = arith.constant 0 : i32
      %dma_wait3A_1427 = arith.constant 0 : i32
      %dma_wait3A_1428 = tpu.memref_slice %arg6[%dma_wait3A_1424, %dma_wait3A_1425, %dma_wait3A_1426, %dma_wait3A_1427] : memref<3x2x64x128xf32, #tpu.memory_space<vmem>> -> memref<1x1x64x128xf32, #tpu.memory_space<vmem>>
      %dma_wait3A_1429 = tpu.memref_squeeze %dma_wait3A_1428 : memref<1x1x64x128xf32, #tpu.memory_space<vmem>> -> memref<64x128xf32, #tpu.memory_space<vmem>>
      %dma_wait3A_1430 = arith.constant 0 : i32
      %dma_wait3A_1431 = arith.constant 0 : i32
      %dma_wait3A_1432 = tpu.memref_slice %arg2[%dma_wait3A_1430, %dma_wait3A_1431] : memref<64x1000000xf32, #tpu.memory_space<hbm>> -> memref<64x128xf32, #tpu.memory_space<hbm>>
      %dma_wait3A_1433 = arith.constant 0 : i32
      %dma_wait3A_1434 = arith.constant 0 : i32
      %dma_wait3A_1435 = tpu.memref_slice %arg6[%dma_wait3A_1424, %dma_wait3A_1425, %dma_wait3A_1433, %dma_wait3A_1434] : memref<3x2x64x128xf32, #tpu.memory_space<vmem>> -> memref<1x1x64x128xf32, #tpu.memory_space<vmem>>
      %dma_wait3A_1436 = tpu.memref_squeeze %dma_wait3A_1435 : memref<1x1x64x128xf32, #tpu.memory_space<vmem>> -> memref<64x128xf32, #tpu.memory_space<vmem>>
      %dma_wait3A_1437 = arith.constant 0 : i32
      %dma_wait3A_1438 = arith.constant 0 : i32
      %dma_wait3A_1439 = tpu.memref_slice %arg2[%dma_wait3A_1437, %dma_wait3A_1438] : memref<64x1000000xf32, #tpu.memory_space<hbm>> -> memref<64x128xf32, #tpu.memory_space<hbm>>
      tpu.wait_dma2 semaphore(%arg8 : memref<!tpu.dma_semaphore, #tpu.memory_space<semaphore_mem>>) src(%dma_wait3A_1439 : memref<64x128xf32, #tpu.memory_space<hbm>>) dst(%dma_wait3A_1436 : memref<64x128xf32, #tpu.memory_space<vmem>>)
      %dma_wait3A_1440 = arith.constant 0 : i32
      %dma_wait3A_1441 = arith.constant 1 : i32
      %dma_wait3A_1442 = arith.constant 0 : i32
      %dma_wait3A_1443 = arith.constant 0 : i32
      %dma_wait3A_1444 = tpu.memref_slice %arg6[%dma_wait3A_1440, %dma_wait3A_1441, %dma_wait3A_1442, %dma_wait3A_1443] : memref<3x2x64x128xf32, #tpu.memory_space<vmem>> -> memref<1x1x64x128xf32, #tpu.memory_space<vmem>>
      %dma_wait3A_1445 = tpu.memref_squeeze %dma_wait3A_1444 : memref<1x1x64x128xf32, #tpu.memory_space<vmem>> -> memref<64x128xf32, #tpu.memory_space<vmem>>
      %dma_wait3A_1446 = arith.constant 0 : i32
      %dma_wait3A_1447 = arith.constant 0 : i32
      %dma_wait3A_1448 = tpu.memref_slice %arg2[%dma_wait3A_1446, %dma_wait3A_1447] : memref<64x1000000xf32, #tpu.memory_space<hbm>> -> memref<64x128xf32, #tpu.memory_space<hbm>>
      %dma_wait3A_1449 = arith.constant 0 : i32
      %dma_wait3A_1450 = arith.constant 0 : i32
      %dma_wait3A_1451 = tpu.memref_slice %arg6[%dma_wait3A_1440, %dma_wait3A_1441, %dma_wait3A_1449, %dma_wait3A_1450] : memref<3x2x64x128xf32, #tpu.memory_space<vmem>> -> memref<1x1x64x128xf32, #tpu.memory_space<vmem>>
      %dma_wait3A_1452 = tpu.memref_squeeze %dma_wait3A_1451 : memref<1x1x64x128xf32, #tpu.memory_space<vmem>> -> memref<64x128xf32, #tpu.memory_space<vmem>>
      %dma_wait3A_1453 = arith.constant 0 : i32
      %dma_wait3A_1454 = arith.constant 0 : i32
      %dma_wait3A_1455 = tpu.memref_slice %arg2[%dma_wait3A_1453, %dma_wait3A_1454] : memref<64x1000000xf32, #tpu.memory_space<hbm>> -> memref<64x128xf32, #tpu.memory_space<hbm>>
      tpu.wait_dma2 semaphore(%arg8 : memref<!tpu.dma_semaphore, #tpu.memory_space<semaphore_mem>>) src(%dma_wait3A_1455 : memref<64x128xf32, #tpu.memory_space<hbm>>) dst(%dma_wait3A_1452 : memref<64x128xf32, #tpu.memory_space<vmem>>)
      %slice3A_1456 = vector.extract_strided_slice %and3A_19 {offsets = [12], sizes = [1], strides = [1]} : vector<16xi32> to vector<1xi32>
      %squeeze3A_1457 = vector.extract %slice3A_1456[0] : i32 from vector<1xi32>
      %broadcast_in_dim3A_1458 = vector.broadcast %squeeze3A_1457 : i32 to vector<16xi32>
      %add3A_1459 = arith.constant 0 : i32
      %add3A_1460 = vector.broadcast %add3A_1459 : i32 to vector<16xi32>
      %add3A_1461 = arith.addi %iota3A, %add3A_1460 : vector<16xi32>
      %gather3A_1462 = arith.constant 0 : i32
      %gather3A_1463 = arith.constant 0 : i32
      %gather3A_1464 = arith.constant 0 : i32
      %gather3A_1465 = arith.constant 0 : i32
      %gather3A_1466 = tpu.memref_slice %arg6[%gather3A_1462, %gather3A_1463, %gather3A_1464, %gather3A_1465] : memref<3x2x64x128xf32, #tpu.memory_space<vmem>> -> memref<1x1x64x128xf32, #tpu.memory_space<vmem>>
      %gather3A_1467 = tpu.memref_squeeze %gather3A_1466 : memref<1x1x64x128xf32, #tpu.memory_space<vmem>> -> memref<64x128xf32, #tpu.memory_space<vmem>>
      %gather3A_1468 = tpu.vector_load_idx %gather3A_1467[%add3A_1461, %broadcast_in_dim3A_1458] : memref<64x128xf32, #tpu.memory_space<vmem>>[vector<16xi32>, vector<16xi32>], vector<16xf32>,
      %mul3A_1469 = arith.constant 16 : i32
      %mul3A_1470 = arith.muli %scan3A_9, %mul3A_1469 : i32
      %add3A_1471 = arith.constant 12 : i32
      %add3A_1472 = arith.addi %mul3A_1470, %add3A_1471 : i32
      %add3A_1473 = arith.constant 0 : i32
      %add3A_1474 = arith.addi %add3A_1472, %add3A_1473 : i32
      %swap3A_1475 = arith.index_cast %add3A_1474 : i32 to index
      %swap3A_1476 = arith.constant 0 : index
      %swap3A_1477 = tpu.vector_load %arg7[%swap3A_1475, %swap3A_1476] {strides = array<i32>} : memref<512x64xf32, #tpu.memory_space<vmem>>, vector<16xf32>,
      tpu.vector_store %arg7[%swap3A_1475, %swap3A_1476], %gather3A_1468 {strides = array<i32>} : memref<512x64xf32, #tpu.memory_space<vmem>>, vector<16xf32>,
      %add3A_1478 = arith.constant 16 : i32
      %add3A_1479 = vector.broadcast %add3A_1478 : i32 to vector<16xi32>
      %add3A_1480 = arith.addi %iota3A, %add3A_1479 : vector<16xi32>
      %gather3A_1481 = arith.constant 0 : i32
      %gather3A_1482 = arith.constant 0 : i32
      %gather3A_1483 = arith.constant 0 : i32
      %gather3A_1484 = arith.constant 0 : i32
      %gather3A_1485 = tpu.memref_slice %arg6[%gather3A_1481, %gather3A_1482, %gather3A_1483, %gather3A_1484] : memref<3x2x64x128xf32, #tpu.memory_space<vmem>> -> memref<1x1x64x128xf32, #tpu.memory_space<vmem>>
      %gather3A_1486 = tpu.memref_squeeze %gather3A_1485 : memref<1x1x64x128xf32, #tpu.memory_space<vmem>> -> memref<64x128xf32, #tpu.memory_space<vmem>>
      %gather3A_1487 = tpu.vector_load_idx %gather3A_1486[%add3A_1480, %broadcast_in_dim3A_1458] : memref<64x128xf32, #tpu.memory_space<vmem>>[vector<16xi32>, vector<16xi32>], vector<16xf32>,
      %mul3A_1488 = arith.constant 16 : i32
      %mul3A_1489 = arith.muli %scan3A_9, %mul3A_1488 : i32
      %add3A_1490 = arith.constant 12 : i32
      %add3A_1491 = arith.addi %mul3A_1489, %add3A_1490 : i32
      %add3A_1492 = arith.constant 0 : i32
      %add3A_1493 = arith.addi %add3A_1491, %add3A_1492 : i32
      %swap3A_1494 = arith.index_cast %add3A_1493 : i32 to index
      %swap3A_1495 = arith.constant 16 : index
      %swap3A_1496 = tpu.vector_load %arg7[%swap3A_1494, %swap3A_1495] {strides = array<i32>} : memref<512x64xf32, #tpu.memory_space<vmem>>, vector<16xf32>,
      tpu.vector_store %arg7[%swap3A_1494, %swap3A_1495], %gather3A_1487 {strides = array<i32>} : memref<512x64xf32, #tpu.memory_space<vmem>>, vector<16xf32>,
      %add3A_1497 = arith.constant 32 : i32
      %add3A_1498 = vector.broadcast %add3A_1497 : i32 to vector<16xi32>
      %add3A_1499 = arith.addi %iota3A, %add3A_1498 : vector<16xi32>
      %gather3A_1500 = arith.constant 0 : i32
      %gather3A_1501 = arith.constant 0 : i32
      %gather3A_1502 = arith.constant 0 : i32
      %gather3A_1503 = arith.constant 0 : i32
      %gather3A_1504 = tpu.memref_slice %arg6[%gather3A_1500, %gather3A_1501, %gather3A_1502, %gather3A_1503] : memref<3x2x64x128xf32, #tpu.memory_space<vmem>> -> memref<1x1x64x128xf32, #tpu.memory_space<vmem>>
      %gather3A_1505 = tpu.memref_squeeze %gather3A_1504 : memref<1x1x64x128xf32, #tpu.memory_space<vmem>> -> memref<64x128xf32, #tpu.memory_space<vmem>>
      %gather3A_1506 = tpu.vector_load_idx %gather3A_1505[%add3A_1499, %broadcast_in_dim3A_1458] : memref<64x128xf32, #tpu.memory_space<vmem>>[vector<16xi32>, vector<16xi32>], vector<16xf32>,
      %mul3A_1507 = arith.constant 16 : i32
      %mul3A_1508 = arith.muli %scan3A_9, %mul3A_1507 : i32
      %add3A_1509 = arith.constant 12 : i32
      %add3A_1510 = arith.addi %mul3A_1508, %add3A_1509 : i32
      %add3A_1511 = arith.constant 0 : i32
      %add3A_1512 = arith.addi %add3A_1510, %add3A_1511 : i32
      %swap3A_1513 = arith.index_cast %add3A_1512 : i32 to index
      %swap3A_1514 = arith.constant 32 : index
      %swap3A_1515 = tpu.vector_load %arg7[%swap3A_1513, %swap3A_1514] {strides = array<i32>} : memref<512x64xf32, #tpu.memory_space<vmem>>, vector<16xf32>,
      tpu.vector_store %arg7[%swap3A_1513, %swap3A_1514], %gather3A_1506 {strides = array<i32>} : memref<512x64xf32, #tpu.memory_space<vmem>>, vector<16xf32>,
      %add3A_1516 = arith.constant 48 : i32
      %add3A_1517 = vector.broadcast %add3A_1516 : i32 to vector<16xi32>
      %add3A_1518 = arith.addi %iota3A, %add3A_1517 : vector<16xi32>
      %gather3A_1519 = arith.constant 0 : i32
      %gather3A_1520 = arith.constant 0 : i32
      %gather3A_1521 = arith.constant 0 : i32
      %gather3A_1522 = arith.constant 0 : i32
      %gather3A_1523 = tpu.memref_slice %arg6[%gather3A_1519, %gather3A_1520, %gather3A_1521, %gather3A_1522] : memref<3x2x64x128xf32, #tpu.memory_space<vmem>> -> memref<1x1x64x128xf32, #tpu.memory_space<vmem>>
      %gather3A_1524 = tpu.memref_squeeze %gather3A_1523 : memref<1x1x64x128xf32, #tpu.memory_space<vmem>> -> memref<64x128xf32, #tpu.memory_space<vmem>>
      %gather3A_1525 = tpu.vector_load_idx %gather3A_1524[%add3A_1518, %broadcast_in_dim3A_1458] : memref<64x128xf32, #tpu.memory_space<vmem>>[vector<16xi32>, vector<16xi32>], vector<16xf32>,
      %mul3A_1526 = arith.constant 16 : i32
      %mul3A_1527 = arith.muli %scan3A_9, %mul3A_1526 : i32
      %add3A_1528 = arith.constant 12 : i32
      %add3A_1529 = arith.addi %mul3A_1527, %add3A_1528 : i32
      %add3A_1530 = arith.constant 0 : i32
      %add3A_1531 = arith.addi %add3A_1529, %add3A_1530 : i32
      %swap3A_1532 = arith.index_cast %add3A_1531 : i32 to index
      %swap3A_1533 = arith.constant 48 : index
      %swap3A_1534 = tpu.vector_load %arg7[%swap3A_1532, %swap3A_1533] {strides = array<i32>} : memref<512x64xf32, #tpu.memory_space<vmem>>, vector<16xf32>,
      tpu.vector_store %arg7[%swap3A_1532, %swap3A_1533], %gather3A_1525 {strides = array<i32>} : memref<512x64xf32, #tpu.memory_space<vmem>>, vector<16xf32>,
      %slice3A_1535 = vector.extract_strided_slice %and3A_19 {offsets = [13], sizes = [1], strides = [1]} : vector<16xi32> to vector<1xi32>
      %squeeze3A_1536 = vector.extract %slice3A_1535[0] : i32 from vector<1xi32>
      %broadcast_in_dim3A_1537 = vector.broadcast %squeeze3A_1536 : i32 to vector<16xi32>
      %add3A_1538 = arith.constant 0 : i32
      %add3A_1539 = vector.broadcast %add3A_1538 : i32 to vector<16xi32>
      %add3A_1540 = arith.addi %iota3A, %add3A_1539 : vector<16xi32>
      %gather3A_1541 = arith.constant 0 : i32
      %gather3A_1542 = arith.constant 1 : i32
      %gather3A_1543 = arith.constant 0 : i32
      %gather3A_1544 = arith.constant 0 : i32
      %gather3A_1545 = tpu.memref_slice %arg6[%gather3A_1541, %gather3A_1542, %gather3A_1543, %gather3A_1544] : memref<3x2x64x128xf32, #tpu.memory_space<vmem>> -> memref<1x1x64x128xf32, #tpu.memory_space<vmem>>
      %gather3A_1546 = tpu.memref_squeeze %gather3A_1545 : memref<1x1x64x128xf32, #tpu.memory_space<vmem>> -> memref<64x128xf32, #tpu.memory_space<vmem>>
      %gather3A_1547 = tpu.vector_load_idx %gather3A_1546[%add3A_1540, %broadcast_in_dim3A_1537] : memref<64x128xf32, #tpu.memory_space<vmem>>[vector<16xi32>, vector<16xi32>], vector<16xf32>,
      %mul3A_1548 = arith.constant 16 : i32
      %mul3A_1549 = arith.muli %scan3A_9, %mul3A_1548 : i32
      %add3A_1550 = arith.constant 12 : i32
      %add3A_1551 = arith.addi %mul3A_1549, %add3A_1550 : i32
      %add3A_1552 = arith.constant 1 : i32
      %add3A_1553 = arith.addi %add3A_1551, %add3A_1552 : i32
      %swap3A_1554 = arith.index_cast %add3A_1553 : i32 to index
      %swap3A_1555 = arith.constant 0 : index
      %swap3A_1556 = tpu.vector_load %arg7[%swap3A_1554, %swap3A_1555] {strides = array<i32>} : memref<512x64xf32, #tpu.memory_space<vmem>>, vector<16xf32>,
      tpu.vector_store %arg7[%swap3A_1554, %swap3A_1555], %gather3A_1547 {strides = array<i32>} : memref<512x64xf32, #tpu.memory_space<vmem>>, vector<16xf32>,
      %add3A_1557 = arith.constant 16 : i32
      %add3A_1558 = vector.broadcast %add3A_1557 : i32 to vector<16xi32>
      %add3A_1559 = arith.addi %iota3A, %add3A_1558 : vector<16xi32>
      %gather3A_1560 = arith.constant 0 : i32
      %gather3A_1561 = arith.constant 1 : i32
      %gather3A_1562 = arith.constant 0 : i32
      %gather3A_1563 = arith.constant 0 : i32
      %gather3A_1564 = tpu.memref_slice %arg6[%gather3A_1560, %gather3A_1561, %gather3A_1562, %gather3A_1563] : memref<3x2x64x128xf32, #tpu.memory_space<vmem>> -> memref<1x1x64x128xf32, #tpu.memory_space<vmem>>
      %gather3A_1565 = tpu.memref_squeeze %gather3A_1564 : memref<1x1x64x128xf32, #tpu.memory_space<vmem>> -> memref<64x128xf32, #tpu.memory_space<vmem>>
      %gather3A_1566 = tpu.vector_load_idx %gather3A_1565[%add3A_1559, %broadcast_in_dim3A_1537] : memref<64x128xf32, #tpu.memory_space<vmem>>[vector<16xi32>, vector<16xi32>], vector<16xf32>,
      %mul3A_1567 = arith.constant 16 : i32
      %mul3A_1568 = arith.muli %scan3A_9, %mul3A_1567 : i32
      %add3A_1569 = arith.constant 12 : i32
      %add3A_1570 = arith.addi %mul3A_1568, %add3A_1569 : i32
      %add3A_1571 = arith.constant 1 : i32
      %add3A_1572 = arith.addi %add3A_1570, %add3A_1571 : i32
      %swap3A_1573 = arith.index_cast %add3A_1572 : i32 to index
      %swap3A_1574 = arith.constant 16 : index
      %swap3A_1575 = tpu.vector_load %arg7[%swap3A_1573, %swap3A_1574] {strides = array<i32>} : memref<512x64xf32, #tpu.memory_space<vmem>>, vector<16xf32>,
      tpu.vector_store %arg7[%swap3A_1573, %swap3A_1574], %gather3A_1566 {strides = array<i32>} : memref<512x64xf32, #tpu.memory_space<vmem>>, vector<16xf32>,
      %add3A_1576 = arith.constant 32 : i32
      %add3A_1577 = vector.broadcast %add3A_1576 : i32 to vector<16xi32>
      %add3A_1578 = arith.addi %iota3A, %add3A_1577 : vector<16xi32>
      %gather3A_1579 = arith.constant 0 : i32
      %gather3A_1580 = arith.constant 1 : i32
      %gather3A_1581 = arith.constant 0 : i32
      %gather3A_1582 = arith.constant 0 : i32
      %gather3A_1583 = tpu.memref_slice %arg6[%gather3A_1579, %gather3A_1580, %gather3A_1581, %gather3A_1582] : memref<3x2x64x128xf32, #tpu.memory_space<vmem>> -> memref<1x1x64x128xf32, #tpu.memory_space<vmem>>
      %gather3A_1584 = tpu.memref_squeeze %gather3A_1583 : memref<1x1x64x128xf32, #tpu.memory_space<vmem>> -> memref<64x128xf32, #tpu.memory_space<vmem>>
      %gather3A_1585 = tpu.vector_load_idx %gather3A_1584[%add3A_1578, %broadcast_in_dim3A_1537] : memref<64x128xf32, #tpu.memory_space<vmem>>[vector<16xi32>, vector<16xi32>], vector<16xf32>,
      %mul3A_1586 = arith.constant 16 : i32
      %mul3A_1587 = arith.muli %scan3A_9, %mul3A_1586 : i32
      %add3A_1588 = arith.constant 12 : i32
      %add3A_1589 = arith.addi %mul3A_1587, %add3A_1588 : i32
      %add3A_1590 = arith.constant 1 : i32
      %add3A_1591 = arith.addi %add3A_1589, %add3A_1590 : i32
      %swap3A_1592 = arith.index_cast %add3A_1591 : i32 to index
      %swap3A_1593 = arith.constant 32 : index
      %swap3A_1594 = tpu.vector_load %arg7[%swap3A_1592, %swap3A_1593] {strides = array<i32>} : memref<512x64xf32, #tpu.memory_space<vmem>>, vector<16xf32>,
      tpu.vector_store %arg7[%swap3A_1592, %swap3A_1593], %gather3A_1585 {strides = array<i32>} : memref<512x64xf32, #tpu.memory_space<vmem>>, vector<16xf32>,
      %add3A_1595 = arith.constant 48 : i32
      %add3A_1596 = vector.broadcast %add3A_1595 : i32 to vector<16xi32>
      %add3A_1597 = arith.addi %iota3A, %add3A_1596 : vector<16xi32>
      %gather3A_1598 = arith.constant 0 : i32
      %gather3A_1599 = arith.constant 1 : i32
      %gather3A_1600 = arith.constant 0 : i32
      %gather3A_1601 = arith.constant 0 : i32
      %gather3A_1602 = tpu.memref_slice %arg6[%gather3A_1598, %gather3A_1599, %gather3A_1600, %gather3A_1601] : memref<3x2x64x128xf32, #tpu.memory_space<vmem>> -> memref<1x1x64x128xf32, #tpu.memory_space<vmem>>
      %gather3A_1603 = tpu.memref_squeeze %gather3A_1602 : memref<1x1x64x128xf32, #tpu.memory_space<vmem>> -> memref<64x128xf32, #tpu.memory_space<vmem>>
      %gather3A_1604 = tpu.vector_load_idx %gather3A_1603[%add3A_1597, %broadcast_in_dim3A_1537] : memref<64x128xf32, #tpu.memory_space<vmem>>[vector<16xi32>, vector<16xi32>], vector<16xf32>,
      %mul3A_1605 = arith.constant 16 : i32
      %mul3A_1606 = arith.muli %scan3A_9, %mul3A_1605 : i32
      %add3A_1607 = arith.constant 12 : i32
      %add3A_1608 = arith.addi %mul3A_1606, %add3A_1607 : i32
      %add3A_1609 = arith.constant 1 : i32
      %add3A_1610 = arith.addi %add3A_1608, %add3A_1609 : i32
      %swap3A_1611 = arith.index_cast %add3A_1610 : i32 to index
      %swap3A_1612 = arith.constant 48 : index
      %swap3A_1613 = tpu.vector_load %arg7[%swap3A_1611, %swap3A_1612] {strides = array<i32>} : memref<512x64xf32, #tpu.memory_space<vmem>>, vector<16xf32>,
      tpu.vector_store %arg7[%swap3A_1611, %swap3A_1612], %gather3A_1604 {strides = array<i32>} : memref<512x64xf32, #tpu.memory_space<vmem>>, vector<16xf32>,
      %dma_wait3A_1614 = arith.constant 0 : i32
      %dma_wait3A_1615 = arith.constant 0 : i32
      %dma_wait3A_1616 = arith.constant 0 : i32
      %dma_wait3A_1617 = arith.constant 0 : i32
      %dma_wait3A_1618 = tpu.memref_slice %arg6[%dma_wait3A_1614, %dma_wait3A_1615, %dma_wait3A_1616, %dma_wait3A_1617] : memref<3x2x64x128xf32, #tpu.memory_space<vmem>> -> memref<1x1x64x128xf32, #tpu.memory_space<vmem>>
      %dma_wait3A_1619 = tpu.memref_squeeze %dma_wait3A_1618 : memref<1x1x64x128xf32, #tpu.memory_space<vmem>> -> memref<64x128xf32, #tpu.memory_space<vmem>>
      %dma_wait3A_1620 = arith.constant 0 : i32
      %dma_wait3A_1621 = arith.constant 0 : i32
      %dma_wait3A_1622 = tpu.memref_slice %arg2[%dma_wait3A_1620, %dma_wait3A_1621] : memref<64x1000000xf32, #tpu.memory_space<hbm>> -> memref<64x128xf32, #tpu.memory_space<hbm>>
      %dma_wait3A_1623 = arith.constant 0 : i32
      %dma_wait3A_1624 = arith.constant 0 : i32
      %dma_wait3A_1625 = tpu.memref_slice %arg6[%dma_wait3A_1614, %dma_wait3A_1615, %dma_wait3A_1623, %dma_wait3A_1624] : memref<3x2x64x128xf32, #tpu.memory_space<vmem>> -> memref<1x1x64x128xf32, #tpu.memory_space<vmem>>
      %dma_wait3A_1626 = tpu.memref_squeeze %dma_wait3A_1625 : memref<1x1x64x128xf32, #tpu.memory_space<vmem>> -> memref<64x128xf32, #tpu.memory_space<vmem>>
      %dma_wait3A_1627 = arith.constant 0 : i32
      %dma_wait3A_1628 = arith.constant 0 : i32
      %dma_wait3A_1629 = tpu.memref_slice %arg2[%dma_wait3A_1627, %dma_wait3A_1628] : memref<64x1000000xf32, #tpu.memory_space<hbm>> -> memref<64x128xf32, #tpu.memory_space<hbm>>
      tpu.wait_dma2 semaphore(%arg8 : memref<!tpu.dma_semaphore, #tpu.memory_space<semaphore_mem>>) src(%dma_wait3A_1629 : memref<64x128xf32, #tpu.memory_space<hbm>>) dst(%dma_wait3A_1626 : memref<64x128xf32, #tpu.memory_space<vmem>>)
      %dma_wait3A_1630 = arith.constant 0 : i32
      %dma_wait3A_1631 = arith.constant 1 : i32
      %dma_wait3A_1632 = arith.constant 0 : i32
      %dma_wait3A_1633 = arith.constant 0 : i32
      %dma_wait3A_1634 = tpu.memref_slice %arg6[%dma_wait3A_1630, %dma_wait3A_1631, %dma_wait3A_1632, %dma_wait3A_1633] : memref<3x2x64x128xf32, #tpu.memory_space<vmem>> -> memref<1x1x64x128xf32, #tpu.memory_space<vmem>>
      %dma_wait3A_1635 = tpu.memref_squeeze %dma_wait3A_1634 : memref<1x1x64x128xf32, #tpu.memory_space<vmem>> -> memref<64x128xf32, #tpu.memory_space<vmem>>
      %dma_wait3A_1636 = arith.constant 0 : i32
      %dma_wait3A_1637 = arith.constant 0 : i32
      %dma_wait3A_1638 = tpu.memref_slice %arg2[%dma_wait3A_1636, %dma_wait3A_1637] : memref<64x1000000xf32, #tpu.memory_space<hbm>> -> memref<64x128xf32, #tpu.memory_space<hbm>>
      %dma_wait3A_1639 = arith.constant 0 : i32
      %dma_wait3A_1640 = arith.constant 0 : i32
      %dma_wait3A_1641 = tpu.memref_slice %arg6[%dma_wait3A_1630, %dma_wait3A_1631, %dma_wait3A_1639, %dma_wait3A_1640] : memref<3x2x64x128xf32, #tpu.memory_space<vmem>> -> memref<1x1x64x128xf32, #tpu.memory_space<vmem>>
      %dma_wait3A_1642 = tpu.memref_squeeze %dma_wait3A_1641 : memref<1x1x64x128xf32, #tpu.memory_space<vmem>> -> memref<64x128xf32, #tpu.memory_space<vmem>>
      %dma_wait3A_1643 = arith.constant 0 : i32
      %dma_wait3A_1644 = arith.constant 0 : i32
      %dma_wait3A_1645 = tpu.memref_slice %arg2[%dma_wait3A_1643, %dma_wait3A_1644] : memref<64x1000000xf32, #tpu.memory_space<hbm>> -> memref<64x128xf32, #tpu.memory_space<hbm>>
      tpu.wait_dma2 semaphore(%arg8 : memref<!tpu.dma_semaphore, #tpu.memory_space<semaphore_mem>>) src(%dma_wait3A_1645 : memref<64x128xf32, #tpu.memory_space<hbm>>) dst(%dma_wait3A_1642 : memref<64x128xf32, #tpu.memory_space<vmem>>)
      %slice3A_1646 = vector.extract_strided_slice %and3A_19 {offsets = [14], sizes = [1], strides = [1]} : vector<16xi32> to vector<1xi32>
      %squeeze3A_1647 = vector.extract %slice3A_1646[0] : i32 from vector<1xi32>
      %broadcast_in_dim3A_1648 = vector.broadcast %squeeze3A_1647 : i32 to vector<16xi32>
      %add3A_1649 = arith.constant 0 : i32
      %add3A_1650 = vector.broadcast %add3A_1649 : i32 to vector<16xi32>
      %add3A_1651 = arith.addi %iota3A, %add3A_1650 : vector<16xi32>
      %gather3A_1652 = arith.constant 1 : i32
      %gather3A_1653 = arith.constant 0 : i32
      %gather3A_1654 = arith.constant 0 : i32
      %gather3A_1655 = arith.constant 0 : i32
      %gather3A_1656 = tpu.memref_slice %arg6[%gather3A_1652, %gather3A_1653, %gather3A_1654, %gather3A_1655] : memref<3x2x64x128xf32, #tpu.memory_space<vmem>> -> memref<1x1x64x128xf32, #tpu.memory_space<vmem>>
      %gather3A_1657 = tpu.memref_squeeze %gather3A_1656 : memref<1x1x64x128xf32, #tpu.memory_space<vmem>> -> memref<64x128xf32, #tpu.memory_space<vmem>>
      %gather3A_1658 = tpu.vector_load_idx %gather3A_1657[%add3A_1651, %broadcast_in_dim3A_1648] : memref<64x128xf32, #tpu.memory_space<vmem>>[vector<16xi32>, vector<16xi32>], vector<16xf32>,
      %mul3A_1659 = arith.constant 16 : i32
      %mul3A_1660 = arith.muli %scan3A_9, %mul3A_1659 : i32
      %add3A_1661 = arith.constant 14 : i32
      %add3A_1662 = arith.addi %mul3A_1660, %add3A_1661 : i32
      %add3A_1663 = arith.constant 0 : i32
      %add3A_1664 = arith.addi %add3A_1662, %add3A_1663 : i32
      %swap3A_1665 = arith.index_cast %add3A_1664 : i32 to index
      %swap3A_1666 = arith.constant 0 : index
      %swap3A_1667 = tpu.vector_load %arg7[%swap3A_1665, %swap3A_1666] {strides = array<i32>} : memref<512x64xf32, #tpu.memory_space<vmem>>, vector<16xf32>,
      tpu.vector_store %arg7[%swap3A_1665, %swap3A_1666], %gather3A_1658 {strides = array<i32>} : memref<512x64xf32, #tpu.memory_space<vmem>>, vector<16xf32>,
      %add3A_1668 = arith.constant 16 : i32
      %add3A_1669 = vector.broadcast %add3A_1668 : i32 to vector<16xi32>
      %add3A_1670 = arith.addi %iota3A, %add3A_1669 : vector<16xi32>
      %gather3A_1671 = arith.constant 1 : i32
      %gather3A_1672 = arith.constant 0 : i32
      %gather3A_1673 = arith.constant 0 : i32
      %gather3A_1674 = arith.constant 0 : i32
      %gather3A_1675 = tpu.memref_slice %arg6[%gather3A_1671, %gather3A_1672, %gather3A_1673, %gather3A_1674] : memref<3x2x64x128xf32, #tpu.memory_space<vmem>> -> memref<1x1x64x128xf32, #tpu.memory_space<vmem>>
      %gather3A_1676 = tpu.memref_squeeze %gather3A_1675 : memref<1x1x64x128xf32, #tpu.memory_space<vmem>> -> memref<64x128xf32, #tpu.memory_space<vmem>>
      %gather3A_1677 = tpu.vector_load_idx %gather3A_1676[%add3A_1670, %broadcast_in_dim3A_1648] : memref<64x128xf32, #tpu.memory_space<vmem>>[vector<16xi32>, vector<16xi32>], vector<16xf32>,
      %mul3A_1678 = arith.constant 16 : i32
      %mul3A_1679 = arith.muli %scan3A_9, %mul3A_1678 : i32
      %add3A_1680 = arith.constant 14 : i32
      %add3A_1681 = arith.addi %mul3A_1679, %add3A_1680 : i32
      %add3A_1682 = arith.constant 0 : i32
      %add3A_1683 = arith.addi %add3A_1681, %add3A_1682 : i32
      %swap3A_1684 = arith.index_cast %add3A_1683 : i32 to index
      %swap3A_1685 = arith.constant 16 : index
      %swap3A_1686 = tpu.vector_load %arg7[%swap3A_1684, %swap3A_1685] {strides = array<i32>} : memref<512x64xf32, #tpu.memory_space<vmem>>, vector<16xf32>,
      tpu.vector_store %arg7[%swap3A_1684, %swap3A_1685], %gather3A_1677 {strides = array<i32>} : memref<512x64xf32, #tpu.memory_space<vmem>>, vector<16xf32>,
      %add3A_1687 = arith.constant 32 : i32
      %add3A_1688 = vector.broadcast %add3A_1687 : i32 to vector<16xi32>
      %add3A_1689 = arith.addi %iota3A, %add3A_1688 : vector<16xi32>
      %gather3A_1690 = arith.constant 1 : i32
      %gather3A_1691 = arith.constant 0 : i32
      %gather3A_1692 = arith.constant 0 : i32
      %gather3A_1693 = arith.constant 0 : i32
      %gather3A_1694 = tpu.memref_slice %arg6[%gather3A_1690, %gather3A_1691, %gather3A_1692, %gather3A_1693] : memref<3x2x64x128xf32, #tpu.memory_space<vmem>> -> memref<1x1x64x128xf32, #tpu.memory_space<vmem>>
      %gather3A_1695 = tpu.memref_squeeze %gather3A_1694 : memref<1x1x64x128xf32, #tpu.memory_space<vmem>> -> memref<64x128xf32, #tpu.memory_space<vmem>>
      %gather3A_1696 = tpu.vector_load_idx %gather3A_1695[%add3A_1689, %broadcast_in_dim3A_1648] : memref<64x128xf32, #tpu.memory_space<vmem>>[vector<16xi32>, vector<16xi32>], vector<16xf32>,
      %mul3A_1697 = arith.constant 16 : i32
      %mul3A_1698 = arith.muli %scan3A_9, %mul3A_1697 : i32
      %add3A_1699 = arith.constant 14 : i32
      %add3A_1700 = arith.addi %mul3A_1698, %add3A_1699 : i32
      %add3A_1701 = arith.constant 0 : i32
      %add3A_1702 = arith.addi %add3A_1700, %add3A_1701 : i32
      %swap3A_1703 = arith.index_cast %add3A_1702 : i32 to index
      %swap3A_1704 = arith.constant 32 : index
      %swap3A_1705 = tpu.vector_load %arg7[%swap3A_1703, %swap3A_1704] {strides = array<i32>} : memref<512x64xf32, #tpu.memory_space<vmem>>, vector<16xf32>,
      tpu.vector_store %arg7[%swap3A_1703, %swap3A_1704], %gather3A_1696 {strides = array<i32>} : memref<512x64xf32, #tpu.memory_space<vmem>>, vector<16xf32>,
      %add3A_1706 = arith.constant 48 : i32
      %add3A_1707 = vector.broadcast %add3A_1706 : i32 to vector<16xi32>
      %add3A_1708 = arith.addi %iota3A, %add3A_1707 : vector<16xi32>
      %gather3A_1709 = arith.constant 1 : i32
      %gather3A_1710 = arith.constant 0 : i32
      %gather3A_1711 = arith.constant 0 : i32
      %gather3A_1712 = arith.constant 0 : i32
      %gather3A_1713 = tpu.memref_slice %arg6[%gather3A_1709, %gather3A_1710, %gather3A_1711, %gather3A_1712] : memref<3x2x64x128xf32, #tpu.memory_space<vmem>> -> memref<1x1x64x128xf32, #tpu.memory_space<vmem>>
      %gather3A_1714 = tpu.memref_squeeze %gather3A_1713 : memref<1x1x64x128xf32, #tpu.memory_space<vmem>> -> memref<64x128xf32, #tpu.memory_space<vmem>>
      %gather3A_1715 = tpu.vector_load_idx %gather3A_1714[%add3A_1708, %broadcast_in_dim3A_1648] : memref<64x128xf32, #tpu.memory_space<vmem>>[vector<16xi32>, vector<16xi32>], vector<16xf32>,
      %mul3A_1716 = arith.constant 16 : i32
      %mul3A_1717 = arith.muli %scan3A_9, %mul3A_1716 : i32
      %add3A_1718 = arith.constant 14 : i32
      %add3A_1719 = arith.addi %mul3A_1717, %add3A_1718 : i32
      %add3A_1720 = arith.constant 0 : i32
      %add3A_1721 = arith.addi %add3A_1719, %add3A_1720 : i32
      %swap3A_1722 = arith.index_cast %add3A_1721 : i32 to index
      %swap3A_1723 = arith.constant 48 : index
      %swap3A_1724 = tpu.vector_load %arg7[%swap3A_1722, %swap3A_1723] {strides = array<i32>} : memref<512x64xf32, #tpu.memory_space<vmem>>, vector<16xf32>,
      tpu.vector_store %arg7[%swap3A_1722, %swap3A_1723], %gather3A_1715 {strides = array<i32>} : memref<512x64xf32, #tpu.memory_space<vmem>>, vector<16xf32>,
      %slice3A_1725 = vector.extract_strided_slice %and3A_19 {offsets = [15], sizes = [1], strides = [1]} : vector<16xi32> to vector<1xi32>
      %squeeze3A_1726 = vector.extract %slice3A_1725[0] : i32 from vector<1xi32>
      %broadcast_in_dim3A_1727 = vector.broadcast %squeeze3A_1726 : i32 to vector<16xi32>
      %add3A_1728 = arith.constant 0 : i32
      %add3A_1729 = vector.broadcast %add3A_1728 : i32 to vector<16xi32>
      %add3A_1730 = arith.addi %iota3A, %add3A_1729 : vector<16xi32>
      %gather3A_1731 = arith.constant 1 : i32
      %gather3A_1732 = arith.constant 1 : i32
      %gather3A_1733 = arith.constant 0 : i32
      %gather3A_1734 = arith.constant 0 : i32
      %gather3A_1735 = tpu.memref_slice %arg6[%gather3A_1731, %gather3A_1732, %gather3A_1733, %gather3A_1734] : memref<3x2x64x128xf32, #tpu.memory_space<vmem>> -> memref<1x1x64x128xf32, #tpu.memory_space<vmem>>
      %gather3A_1736 = tpu.memref_squeeze %gather3A_1735 : memref<1x1x64x128xf32, #tpu.memory_space<vmem>> -> memref<64x128xf32, #tpu.memory_space<vmem>>
      %gather3A_1737 = tpu.vector_load_idx %gather3A_1736[%add3A_1730, %broadcast_in_dim3A_1727] : memref<64x128xf32, #tpu.memory_space<vmem>>[vector<16xi32>, vector<16xi32>], vector<16xf32>,
      %mul3A_1738 = arith.constant 16 : i32
      %mul3A_1739 = arith.muli %scan3A_9, %mul3A_1738 : i32
      %add3A_1740 = arith.constant 14 : i32
      %add3A_1741 = arith.addi %mul3A_1739, %add3A_1740 : i32
      %add3A_1742 = arith.constant 1 : i32
      %add3A_1743 = arith.addi %add3A_1741, %add3A_1742 : i32
      %swap3A_1744 = arith.index_cast %add3A_1743 : i32 to index
      %swap3A_1745 = arith.constant 0 : index
      %swap3A_1746 = tpu.vector_load %arg7[%swap3A_1744, %swap3A_1745] {strides = array<i32>} : memref<512x64xf32, #tpu.memory_space<vmem>>, vector<16xf32>,
      tpu.vector_store %arg7[%swap3A_1744, %swap3A_1745], %gather3A_1737 {strides = array<i32>} : memref<512x64xf32, #tpu.memory_space<vmem>>, vector<16xf32>,
      %add3A_1747 = arith.constant 16 : i32
      %add3A_1748 = vector.broadcast %add3A_1747 : i32 to vector<16xi32>
      %add3A_1749 = arith.addi %iota3A, %add3A_1748 : vector<16xi32>
      %gather3A_1750 = arith.constant 1 : i32
      %gather3A_1751 = arith.constant 1 : i32
      %gather3A_1752 = arith.constant 0 : i32
      %gather3A_1753 = arith.constant 0 : i32
      %gather3A_1754 = tpu.memref_slice %arg6[%gather3A_1750, %gather3A_1751, %gather3A_1752, %gather3A_1753] : memref<3x2x64x128xf32, #tpu.memory_space<vmem>> -> memref<1x1x64x128xf32, #tpu.memory_space<vmem>>
      %gather3A_1755 = tpu.memref_squeeze %gather3A_1754 : memref<1x1x64x128xf32, #tpu.memory_space<vmem>> -> memref<64x128xf32, #tpu.memory_space<vmem>>
      %gather3A_1756 = tpu.vector_load_idx %gather3A_1755[%add3A_1749, %broadcast_in_dim3A_1727] : memref<64x128xf32, #tpu.memory_space<vmem>>[vector<16xi32>, vector<16xi32>], vector<16xf32>,
      %mul3A_1757 = arith.constant 16 : i32
      %mul3A_1758 = arith.muli %scan3A_9, %mul3A_1757 : i32
      %add3A_1759 = arith.constant 14 : i32
      %add3A_1760 = arith.addi %mul3A_1758, %add3A_1759 : i32
      %add3A_1761 = arith.constant 1 : i32
      %add3A_1762 = arith.addi %add3A_1760, %add3A_1761 : i32
      %swap3A_1763 = arith.index_cast %add3A_1762 : i32 to index
      %swap3A_1764 = arith.constant 16 : index
      %swap3A_1765 = tpu.vector_load %arg7[%swap3A_1763, %swap3A_1764] {strides = array<i32>} : memref<512x64xf32, #tpu.memory_space<vmem>>, vector<16xf32>,
      tpu.vector_store %arg7[%swap3A_1763, %swap3A_1764], %gather3A_1756 {strides = array<i32>} : memref<512x64xf32, #tpu.memory_space<vmem>>, vector<16xf32>,
      %add3A_1766 = arith.constant 32 : i32
      %add3A_1767 = vector.broadcast %add3A_1766 : i32 to vector<16xi32>
      %add3A_1768 = arith.addi %iota3A, %add3A_1767 : vector<16xi32>
      %gather3A_1769 = arith.constant 1 : i32
      %gather3A_1770 = arith.constant 1 : i32
      %gather3A_1771 = arith.constant 0 : i32
      %gather3A_1772 = arith.constant 0 : i32
      %gather3A_1773 = tpu.memref_slice %arg6[%gather3A_1769, %gather3A_1770, %gather3A_1771, %gather3A_1772] : memref<3x2x64x128xf32, #tpu.memory_space<vmem>> -> memref<1x1x64x128xf32, #tpu.memory_space<vmem>>
      %gather3A_1774 = tpu.memref_squeeze %gather3A_1773 : memref<1x1x64x128xf32, #tpu.memory_space<vmem>> -> memref<64x128xf32, #tpu.memory_space<vmem>>
      %gather3A_1775 = tpu.vector_load_idx %gather3A_1774[%add3A_1768, %broadcast_in_dim3A_1727] : memref<64x128xf32, #tpu.memory_space<vmem>>[vector<16xi32>, vector<16xi32>], vector<16xf32>,
      %mul3A_1776 = arith.constant 16 : i32
      %mul3A_1777 = arith.muli %scan3A_9, %mul3A_1776 : i32
      %add3A_1778 = arith.constant 14 : i32
      %add3A_1779 = arith.addi %mul3A_1777, %add3A_1778 : i32
      %add3A_1780 = arith.constant 1 : i32
      %add3A_1781 = arith.addi %add3A_1779, %add3A_1780 : i32
      %swap3A_1782 = arith.index_cast %add3A_1781 : i32 to index
      %swap3A_1783 = arith.constant 32 : index
      %swap3A_1784 = tpu.vector_load %arg7[%swap3A_1782, %swap3A_1783] {strides = array<i32>} : memref<512x64xf32, #tpu.memory_space<vmem>>, vector<16xf32>,
      tpu.vector_store %arg7[%swap3A_1782, %swap3A_1783], %gather3A_1775 {strides = array<i32>} : memref<512x64xf32, #tpu.memory_space<vmem>>, vector<16xf32>,
      %add3A_1785 = arith.constant 48 : i32
      %add3A_1786 = vector.broadcast %add3A_1785 : i32 to vector<16xi32>
      %add3A_1787 = arith.addi %iota3A, %add3A_1786 : vector<16xi32>
      %gather3A_1788 = arith.constant 1 : i32
      %gather3A_1789 = arith.constant 1 : i32
      %gather3A_1790 = arith.constant 0 : i32
      %gather3A_1791 = arith.constant 0 : i32
      %gather3A_1792 = tpu.memref_slice %arg6[%gather3A_1788, %gather3A_1789, %gather3A_1790, %gather3A_1791] : memref<3x2x64x128xf32, #tpu.memory_space<vmem>> -> memref<1x1x64x128xf32, #tpu.memory_space<vmem>>
      %gather3A_1793 = tpu.memref_squeeze %gather3A_1792 : memref<1x1x64x128xf32, #tpu.memory_space<vmem>> -> memref<64x128xf32, #tpu.memory_space<vmem>>
      %gather3A_1794 = tpu.vector_load_idx %gather3A_1793[%add3A_1787, %broadcast_in_dim3A_1727] : memref<64x128xf32, #tpu.memory_space<vmem>>[vector<16xi32>, vector<16xi32>], vector<16xf32>,
      %mul3A_1795 = arith.constant 16 : i32
      %mul3A_1796 = arith.muli %scan3A_9, %mul3A_1795 : i32
      %add3A_1797 = arith.constant 14 : i32
      %add3A_1798 = arith.addi %mul3A_1796, %add3A_1797 : i32
      %add3A_1799 = arith.constant 1 : i32
      %add3A_1800 = arith.addi %add3A_1798, %add3A_1799 : i32
      %swap3A_1801 = arith.index_cast %add3A_1800 : i32 to index
      %swap3A_1802 = arith.constant 48 : index
      %swap3A_1803 = tpu.vector_load %arg7[%swap3A_1801, %swap3A_1802] {strides = array<i32>} : memref<512x64xf32, #tpu.memory_space<vmem>>, vector<16xf32>,
      tpu.vector_store %arg7[%swap3A_1801, %swap3A_1802], %gather3A_1794 {strides = array<i32>} : memref<512x64xf32, #tpu.memory_space<vmem>>, vector<16xf32>,
      %scan3A_1804 = arith.constant 0 : i32
      scf.yield %scan3A_1804 : i32
    }
    %scan3A_8 = arith.constant 32 : i32
    "tpu.region"() ({
      %run_scoped3A = tpu.sem_alloc : memref<!tpu.dma_semaphore, #tpu.memory_space<semaphore_mem>>
      %dma_start3A = arith.constant 0 : i32
      %dma_start3A_9 = tpu.memref_slice %arg4[%mul3A_2, %dma_start3A] : memref<16384x64xf32, #tpu.memory_space<hbm>> -> memref<512x64xf32, #tpu.memory_space<hbm>>
      %dma_start3A_10 = arith.constant 0 : i32
      %dma_start3A_11 = tpu.memref_slice %arg4[%mul3A_2, %dma_start3A_10] : memref<16384x64xf32, #tpu.memory_space<hbm>> -> memref<512x64xf32, #tpu.memory_space<hbm>>
      tpu.enqueue_dma source(%arg7 : memref<512x64xf32, #tpu.memory_space<vmem>>) target(%dma_start3A_11 : memref<512x64xf32, #tpu.memory_space<hbm>>) target_semaphore(%run_scoped3A : memref<!tpu.dma_semaphore, #tpu.memory_space<semaphore_mem>>)
      %dma_wait3A = arith.constant 0 : i32
      %dma_wait3A_12 = tpu.memref_slice %arg4[%mul3A_2, %dma_wait3A] : memref<16384x64xf32, #tpu.memory_space<hbm>> -> memref<512x64xf32, #tpu.memory_space<hbm>>
      %dma_wait3A_13 = arith.constant 0 : i32
      %dma_wait3A_14 = tpu.memref_slice %arg4[%mul3A_2, %dma_wait3A_13] : memref<16384x64xf32, #tpu.memory_space<hbm>> -> memref<512x64xf32, #tpu.memory_space<hbm>>
      tpu.wait_dma2 semaphore(%run_scoped3A : memref<!tpu.dma_semaphore, #tpu.memory_space<semaphore_mem>>) src(%arg7 : memref<512x64xf32, #tpu.memory_space<vmem>>) dst(%dma_wait3A_14 : memref<512x64xf32, #tpu.memory_space<hbm>>)
      tpu.yield
    }) : () -> ()
    return
  }
}

</mosaic_0001>

<sc_bundles>
// kernel: kernel.3.cloned.1.call-start
scs
__scs_entry_jumppad:
0x0: {  	(pc) =	sbr.rel $0x88, $3  }
0x1: {  	(tag) =	ssettag $0x0;
	lr =	simm.s32 $0x1  }
0x2: {  	[smem:$0x3F9F] =	sst lr;
	_ =	strace $0xD0000000  }
0x3: {  	_ = 	snop  }
0x4: {  	_ = 	snop  }
0x5: {  	_ = 	snop  }
0x6: {  	_ = 	snop  }
0x7: {  	_ = 	snop  }
__scs_overlays_trampoline_lowered:
0x8: {  	[smem:$0x3FAE] =	sst s0  }
0x9: {  	[smem:$0x3FAF] =	sst s1  }
0xa: {  	[smem:$0x3FB0] =	sst s2  }
0xb: {  	[smem:$0x3FB1] =	sst s3  }
0xc: {  	[smem:$0x3FB2] =	sst s4  }
0xd: {  	[smem:$0x3FB3] =	sst s5  }
0xe: {  	[smem:$0x3FB4] =	sst s6  }
0xf: {  	[smem:$0x3FB5] =	sst s7  }
0x10: {  	[smem:$0x3FB6] =	sst s8  }
0x11: {  	[smem:$0x3FB7] =	sst s9;
	s0 =	simm.s32 @!p0 $0x0  }
0x12: {  	s1 =	sld [smem:$0x3F9D];
	s0 =	simm.s32 @p0 $0x1  }
0x13: {  	[smem:$0x3FB8] =	sst s0;
	s0 =	simm.s32 @!p1 $0x0  }
0x14: {  	s2 =	sld [smem:$0x3F9C];
	s0 =	simm.s32 @p1 $0x1  }
0x15: {  	[smem:$0x3FB9] =	sst s0;
	s0 =	simm.s32 @!p2 $0x0  }
0x16: {  	s3 =	sld [smem:$0x3FDB];
	s0 =	simm.s32 @p2 $0x1  }
0x17: {  	s4 =	simm.s32 $0x1BF5;
	[smem:$0x3FBB] =	sst s0  }
0x18: {  	s0 =	sld [smem:$0x3F9E];
	_ =	swait.ge [sflag:s4], $0x0  }
0x19: {  	s7 =	sld [smem:$0x3F9F]  }
0x1a: {  	s8 =	sadd.s32 $0xFFFFE003, lr  }
0x1b: {  	s9 =	sadd.s32 $0xFFFFFEF7, lr;
	s5 =	simm.s32 $0xFFFFFFFF;
	p2 =	slt.u32 s8, $0xFFFFF086  }
0x1c: {  	p1 =	slt.u32 s9, $0xF7A;
	s5 =	simm.s32 @!p2 $0x0  }
0x1d: {  	s5 =	simm.s32 @p1 $0x1;
	p0 =	seq.s32 s7, s2  }
0x1e: {  	s7 =	smul.u32 @!p0 $0xF7A, s2;
	p2 =	seq.s32 @!p0 s5, $0x0  }
0x1f: {  	s9 =	smul.u32 $0xF7A, s1;
	s8 =	simm.s32 @!p0 $0x1BF5;
	p2 =	por !p2, p0  }
0x20: {  	[sflag:s8] =	ssyncset.s32 @!p0 $0xFFFFF086;
	s6 =	sadd.s32 @!p0 s3, s7;
	s7 =	simm.s32 @!p0 $0x108  }
0x21: {  	s3 =	sadd.s32 s3, s9;
	s6 =	sadd.s32 @!p0 $0x88, s6;
	s7 =	simm.s32 @p2 $0x1082  }
0x22: {  	[simem:s7], [sflag:s8] =	dma.local @!p0 [hbm:s6], $0xF7A  }
0x23: {  	s9 =	sor.u32 $0xD0000000, s2;
	s6 =	simm.s32 $0x108;
	_ =	swait.ge @!p0 [sflag:s8], $0x0  }
0x24: {  	s3 =	sadd.s32 $0x88, s3;
	s6 =	simm.s32 @!p1 $0x1082;
	[sflag:s4] =	ssyncset.s32 $0xFFFFF086  }
0x25: {  	[simem:s6], [sflag:s4] =	dma.local [hbm:s3], $0xF7A  }
0x26: {  	[smem:$0x3F9F] =	sst s1;
	(tag) =	ssettag s2;
	_ =	strace s9  }
0x27: {  	s1 =	sld [smem:$0x3FAF]  }
0x28: {  	s2 =	sld [smem:$0x3FB0]  }
0x29: {  	s4 =	sld [smem:$0x3FB2]  }
0x2a: {  	p0 =	seq.s32 s5, $0x0;
	s5 =	sld [smem:$0x3FB3]  }
0x2b: {  	s6 =	sld [smem:$0x3FB4]  }
0x2c: {  	s7 =	sld [smem:$0x3FB5]  }
0x2d: {  	s3 =	simm.s32 $0x108;
	s8 =	sld [smem:$0x3FB6]  }
0x2e: {  	s3 =	simm.s32 @!p0 $0x1082;
	s9 =	sld [smem:$0x3FB7]  }
0x2f: {  	lr =	sadd.s32 s0, s3;
	s0 =	sld [smem:$0x3FAE]  }
0x30: {  	s3 =	sld [smem:$0x3FB1]  }
0x31: {  	[smem:$0x3FBA] =	sst s10  }
0x32: {  	s10 =	sld [smem:$0x3FB8];
	_ =	sdelay $0x3  }
0x33: {  	p0 =	seq.s32 s10, $0x1;
	s10 =	sld [smem:$0x3FBA];
	_ =	sdelay $0x3  }
0x34: {  	[smem:$0x3FBA] =	sst s10  }
0x35: {  	s10 =	sld [smem:$0x3FB9];
	_ =	sdelay $0x3  }
0x36: {  	p1 =	seq.s32 s10, $0x1;
	s10 =	sld [smem:$0x3FBA];
	_ =	sdelay $0x3  }
0x37: {  	[smem:$0x3FBA] =	sst s10  }
0x38: {  	s10 =	sld [smem:$0x3FBB]  }
0x39: {  	_ = 	snop;
	(pc) =	sbr.ind lr, $3  }
0x3a: {  	_ = 	snop  }
0x3b: {  	_ = 	snop  }
0x3c: {  	p2 =	seq.s32 s10, $0x1;
	s10 =	sld [smem:$0x3FBA]  }
0x3d: {  	_ =	shalt  }
0x3e: {  	_ =	shalt  }
0x3f: {  	_ =	shalt  }
0x40: {  	_ =	shalt  }
0x41: {  	_ =	shalt  }
0x42: {  	_ =	shalt  }
0x43: {  	_ =	shalt  }
0x44: {  	_ =	shalt  }
0x45: {  	_ =	shalt  }
0x46: {  	_ =	shalt  }
0x47: {  	_ =	shalt  }
0x48: {  	_ =	shalt  }
0x49: {  	_ =	shalt  }
0x4a: {  	_ =	shalt  }
0x4b: {  	_ =	shalt  }
0x4c: {  	_ =	shalt  }
0x4d: {  	_ =	shalt  }
0x4e: {  	_ =	shalt  }
0x4f: {  	_ =	shalt  }
0x50: {  	_ =	shalt  }
0x51: {  	_ =	shalt  }
0x52: {  	_ =	shalt  }
0x53: {  	_ =	shalt  }
0x54: {  	_ =	shalt  }
0x55: {  	_ =	shalt  }
0x56: {  	_ =	shalt  }
0x57: {  	_ =	shalt  }
0x58: {  	_ =	shalt  }
0x59: {  	_ =	shalt  }
0x5a: {  	_ =	shalt  }
0x5b: {  	_ =	shalt  }
0x5c: {  	_ =	shalt  }
0x5d: {  	_ =	shalt  }
0x5e: {  	_ =	shalt  }
0x5f: {  	_ =	shalt  }
0x60: {  	_ =	shalt  }
0x61: {  	_ =	shalt  }
0x62: {  	_ =	shalt  }
0x63: {  	_ =	shalt  }
0x64: {  	_ =	shalt  }
0x65: {  	_ =	shalt  }
0x66: {  	_ =	shalt  }
0x67: {  	_ =	shalt  }
0x68: {  	_ =	shalt  }
0x69: {  	_ =	shalt  }
0x6a: {  	_ =	shalt  }
0x6b: {  	_ =	shalt  }
0x6c: {  	_ =	shalt  }
0x6d: {  	_ =	shalt  }
0x6e: {  	_ =	shalt  }
0x6f: {  	_ =	shalt  }
0x70: {  	_ =	shalt  }
0x71: {  	_ =	shalt  }
0x72: {  	_ =	shalt  }
0x73: {  	_ =	shalt  }
0x74: {  	_ =	shalt  }
0x75: {  	_ =	shalt  }
0x76: {  	_ =	shalt  }
0x77: {  	_ =	shalt  }
0x78: {  	_ =	shalt  }
0x79: {  	_ =	shalt  }
0x7a: {  	_ =	shalt  }
0x7b: {  	_ =	shalt  }
0x7c: {  	_ =	shalt  }
0x7d: {  	_ =	shalt  }
0x7e: {  	_ =	shalt  }
0x7f: {  	_ =	shalt  }
0x80: {  	_ =	shalt  }
0x81: {  	_ =	shalt  }
0x82: {  	_ =	shalt  }
0x83: {  	_ =	shalt  }
0x84: {  	_ =	shalt  }
0x85: {  	_ =	shalt  }
0x86: {  	_ =	shalt  }
0x87: {  	_ =	shalt  }
.Lfunc_end0:
.L_simem_size_0:
called_computation_lowered:
.L_overlay_start_0:
0x88: {  	s2 =	sld [smem:$0x3FD9]  }
0x89: {  	s3 =	sld [smem:$0x3FFE];
	_ =	sdelay $0x1  }
0x8a: {  	s1 =	srdreg.scid  }
0x8b: {  	s0 =	sand.u32 $0x1, s1  }
0x8c: {  	s17 =	sshll.u32 s0, $0xA;
	s2 =	sadd.s32 s3, s2  }
0x8d: {  	s2 =	sadd.s32 s2, s17  }
0x8e: {  	[smem:$0x3FC6] =	sst s2  }
0x8f: {  	_ = 	snop  }
0x90: {  	s2 =	sld [smem:$0x3FC9]  }
0x91: {  	s18 =	sld [smem:$0x3FC8];
	(tm) =	ssettm $0x1  }
0x92: {  	s4 =	sld [smem:$0x3FFB];
	_ =	sdelay $0x3  }
0x93: {  	_ =	strace s4  }
0x94: {  	s4 =	sld [smem:$0x3FFC];
	_ =	sdelay $0x3  }
0x95: {  	_ =	strace s4  }
0x96: {  	s4 =	sld [smem:$0x3FFD];
	_ =	sdelay $0x3  }
0x97: {  	_ =	strace s4  }
0x98: {  	_ =	strace $0x8FFFFFFF  }
0x99: {  	s19 =	sld [smem:$0x3FDB];
	_ =	sdelay $0x1  }
0x9a: {  	s5 =	simm.s32 $_scs_section_size  }
0x9b: {  	s6 =	simm.s32 $_size__tile_overlayer_lowered;
	s7 =	simm.s32 $_tile_overlayer_lowered  }
0x9c: {  	s22 =	simm.s32 $0x1BFF;
	s21 =	sshll.u32 s7, $0x1;
	s4 =	sadd.s32 s5, s19  }
0x9d: {  	s8 =	simm.s32 $0x0;
	s20 =	sshll.u32 s6, $0x1;
	s6 =	sadd.s32 s21, s4  }
0x9e: {  	[timem:s8], [sflag:s22] =	dma.local [hbm:s6], s20  }
0x9f: {  	_ =	swait.ge [sflag:s22], s20  }
0xa0: {  	s5 =	ssub.s32 $0x0, s20;
	[sflag:s22] =	ssyncset.done $0x0  }
0xa1: {  	[sflag:s22] =	ssyncadd.s32 s5;
	_ =	sdelay $0x1  }
0xa2: {  	s23 =	simm.s32 $0x1B8B  }
0xa3: {  	_ =	swait.ge [sflag:s23], $0x1  }
0xa4: {  	[sflag:s23] =	ssyncset.done $0x0  }
0xa5: {  	s25 =	simm.s32 $0x1B8E;
	s24 =	sld [smem:$0x3FFE];
	[sflag:s23] =	ssyncadd.s32 $0xFFFFFFFF  }
0xa6: {  	s26 =	simm.s32 $execute0_lowered;
	[smem:$0x3FD2] =	sst s25  }
0xa7: {  	s6 =	sshll.u32 s26, $0x1;
	_ =	strace $0x80000046;
	[dreg:$0x1] =	wrdreg $0xFFFFFFFF  }
0xa8: {  	s28 =	simm.s32 $_size_execute0_lowered;
	s4 =	sadd.s32 s4, s6;
	[dreg:$0x0] =	wrdreg $0x0  }
0xa9: {  	s6 =	sshll.u32 s28, $0x1;
	[dreg:$0x2] =	wrdreg s4  }
0xaa: {  	[dreg:$0x3] =	wrdreg s6  }
0xab: {  	[dreg:$0x4] =	wrdreg $0xC0  }
0xac: {  	_ =	task [dreg:s8], $0x5FFFF  }
0xad: {  	[dreg:$0x1] =	wrdreg $0xFFFFFFFF  }
0xae: {  	[dreg:$0x0] =	wrdreg $0x60  }
0xaf: {  	[dreg:$0x2] =	wrdreg s18  }
0xb0: {  	[dreg:$0x3] =	wrdreg s2  }
0xb1: {  	[dreg:$0x4] =	wrdreg s24  }
0xb2: {  	[dreg:$0x5] =	wrdreg $0x9  }
0xb3: {  	_ =	task.clear_ibuf [dreg:s8], $0x6FFFF;
	_ =	strace $0x90000046  }
0xb4: {  	s29 =	simm.s32 $0x9;
	_ =	strace $0x80000048  }
0xb5: {  	_ =	swait.ge [sflag:s29], $0x1  }
0xb6: {  	[sflag:s29] =	ssyncadd.s32 $0xFFFFFFFF  }
0xb7: {  	_ =	strace $0x90000048  }
0xb8: {  	_ =	sfence  }
0xb9: {  	s30 =	sld [smem:$0x0];
	_ =	sdelay $0x2  }
0xba: {  	s31 =	sshll.u32 s1, $0xD;
	s1 =	sshrl.u32 s1, $0x2  }
0xbb: {  	s3 =	sand.u32 $0x4000, s31;
	s1 =	sadd.s32 s1, s30  }
0xbc: {  	s0 =	sor.u32 s3, s0;
	s1 =	sshll.u32 s1, $0x11  }
0xbd: {  	s0 =	sor.u32 s1, s0  }
0xbe: {  	s0 =	sadd.s32 $0x8F2B, s0  }
0xbf: {  	[sflag:s0] =	ssyncadd.remote.s32 $0x1  }
0xc0: {  	_ =	sfence.sel $0xFFFF  }
0xc1: {  	[dreg:$0x0] =	wrdreg $0xFFFFFFFF;
	(pc) =	sbr.abs _section_cstart, $3  }
0xc2: {  	[dreg:$0x1] =	wrdreg $0xFFFFFFFF  }
0xc3: {  	_ =	task.clear_ibuf [dreg:s8], $0x2FFFF;
	_ =	strace $0x9FFFFFFF  }
0xc4: {  	(tm) =	ssettm $0x7FFFFFFF  }
0xc5: {  	_ =	shalt  }
tec
execute0_lowered:
.L_overlay_start_1:
0x0: {  	(tag) =	ssettag $0x1  }
0x1: {  	s1 =	rddreg [dreg:$0x0]  }
0x2: {  	s4 =	rddreg [dreg:$0x1]  }
0x3: {  	s5 =	rddreg [dreg:$0x2];
	s3 =	srdreg.scid  }
0x4: {  	s0 =	rddreg [dreg:$0x3];
	s2 =	stileid.u32;
	s10 =	simm.s32 $0x200  }
0x5: {  	s11 =	simm.s32 $0x2200;
	s12 =	simm.s32 $0x4200;
	s13 =	simm.s32 $0x6200  }
0x6: {  	s14 =	simm.s32 $0x8200;
	s15 =	simm.s32 $0xA200;
	s16 =	simm.s32 $0x1  }
0x7: {  	s17 =	simm.s32 $0xC200;
	s18 =	simm.s32 $0x0;
	s6 =	sand.u32 $0x1, s3  }
0x8: {  	s3 =	simm.s32 $0x0;
	s7 =	sshll.u32 s2, $0xA;
	s8 =	sshll.u32 s6, $0x9  }
0x9: {  	[smem:$0x7FF] =	sst s3;
	s6 =	ssub.s32 $0x2, s6;
	s7 =	sor.u32 s8, s7  }
0xa: {  	v0 =	vlaneseq.u32;
	_ =	strace $0x80000047;
	s9 =	sshrl.u32 s6, $0x1;
	s8 =	sshll.u32 s7, $0x4  }
0xb: {  	v0 =	vmul.u32 $0x80, v0;
	s6 =	ssub.s32 s6, s9;
	s7 =	sshrl.u32 s7, $0x3;
	s9 =	simm.s32 $0x7A1400  }
0xc: {  	s5 =	sadd.s32 s8, s5;
	s4 =	sadd.s32 s4, s7;
	s6 =	smax.u32 s6, $0x1  }
0xd: {  	v1 =	vor.u32 $0x800, v0;
	v2 =	vor.u32 $0x1000, v0;
	v3 =	vor.u32 $0x1800, v0;
	s7 =	simm.s32 $0x2;
	s8 =	simm.s32 $0x400;
	s5 =	sadd.s32 $0x400, s5  }
.LBB2_1:
0xe: {  	[tilespmem:s3], [sflag:$0x2] =	stream.linear.gather [hbm4b:s4+s3], $0x200, $0x38;
	[tilespmem:$0x1C200] =	vst v63  }
0xf: {  	_ =	swait.ge [sflag:s7], $0x200  }
0x10: {  	[sflag:s7] =	ssyncset.done $0x0  }
0x11: {  	s19 =	simm.s32 $0xC600;
	s20 =	simm.s32 $0x0;
	[sflag:s7] =	ssyncadd.s32 $0xFFFFFE00  }
.LBB2_2:
0x12: {  	s21 =	sshra.s32 s20, $0x2  }
0x13: {  	v4 =	vld [tilespmem:s21+$0x0];
	_ =	sdelay $0x4  }
0x14: {  	v5 =	vand.u32 $0xFFFFFF80, v4  }
0x15: {  	v5 =	vadd.s32 s1, v5  }
0x16: {  	(v2sf) =	vpush v5, $0x0;
	_ =	sdelay $0x1  }
0x17: {  	(v2sf) =	vpush v5, $0x1;
	_ =	sdelay $0x1  }
0x18: {  	(v2sf) =	vpush v5, $0x2;
	_ =	sdelay $0x1  }
0x19: {  	(v2sf) =	vpush v5, $0x3;
	_ =	sdelay $0x1  }
0x1a: {  	(v2sf) =	vpush v5, $0x4;
	_ =	sdelay $0x1  }
0x1b: {  	(v2sf) =	vpush v5, $0x5;
	_ =	sdelay $0x4  }
0x1c: {  	s24 =	spop (v2sf)  }
0x1d: {  	[tilespmem:s10], [sflag:$0x1] =	stream.strided.gather [hbm4b:s24+s8], $0x2000, s9, s8, $0x38;
	[tilespmem:$0x1C200] =	vst v63  }
0x1e: {  	s25 =	spop (v2sf)  }
0x1f: {  	[tilespmem:s11], [sflag:$0x1] =	stream.strided.gather [hbm4b:s25+s8], $0x2000, s9, s8, $0x38;
	[tilespmem:$0x1C200] =	vst v63  }
0x20: {  	s26 =	spop (v2sf)  }
0x21: {  	[tilespmem:s12], [sflag:$0x1] =	stream.strided.gather [hbm4b:s26+s8], $0x2000, s9, s8, $0x38;
	[tilespmem:$0x1C200] =	vst v63  }
0x22: {  	s28 =	spop (v2sf)  }
0x23: {  	[tilespmem:s13], [sflag:$0x1] =	stream.strided.gather [hbm4b:s28+s8], $0x2000, s9, s8, $0x38;
	[tilespmem:$0x1C200] =	vst v63  }
0x24: {  	s29 =	spop (v2sf)  }
0x25: {  	[tilespmem:s14], [sflag:$0x1] =	stream.strided.gather [hbm4b:s29+s8], $0x2000, s9, s8, $0x38;
	[tilespmem:$0x1C200] =	vst v63  }
0x26: {  	v4 =	vand.u32 $0x7F, v4;
	s30 =	spop (v2sf)  }
0x27: {  	v6 =	vbroadcast v4, $0x0;
	[tilespmem:s15], [sflag:$0x1] =	stream.strided.gather [hbm4b:s30+s8], $0x2000, s9, s8, $0x38;
	[tilespmem:$0x1C200] =	vst v63  }
0x28: {  	_ =	swait.ge [sflag:s16], $0x2000  }
0x29: {  	v7 =	vor.u32 v0, v6;
	[sflag:s16] =	ssyncset.done $0x0  }
0x2a: {  	[sflag:s16] =	ssyncadd.s32 $0xFFFFE000  }
0x2b: {  	_ =	swait.ge [sflag:s16], $0x2000  }
0x2c: {  	[sflag:s16] =	ssyncset.done $0x0  }
0x2d: {  	[sflag:s16] =	ssyncadd.s32 $0xFFFFE000  }
0x2e: {  	v7 =	vld.idx.msk [tilespmem:v7+s10+$0x0], $0xffff  }
0x2f: {  	v8 =	vor.u32 v1, v6;
	_ =	sdelay $0x3  }
0x30: {  	[tilespmem:s19+$0xFFFFFC00] =	vst v7  }
0x31: {  	v7 =	vld.idx.msk [tilespmem:v8+s10+$0x0], $0xffff  }
0x32: {  	v58 =	vor.u32 v2, v6;
	_ =	sdelay $0x3  }
0x33: {  	[tilespmem:s19+$0xFFFFFC10] =	vst v7  }
0x34: {  	v7 =	vld.idx.msk [tilespmem:v58+s10+$0x0], $0xffff  }
0x35: {  	v6 =	vor.u32 v3, v6;
	_ =	sdelay $0x3  }
0x36: {  	v59 =	vbroadcast v4, $0x1;
	[tilespmem:s19+$0xFFFFFC20] =	vst v7  }
0x37: {  	v6 =	vld.idx.msk [tilespmem:v6+s10+$0x0], $0xffff  }
0x38: {  	v60 =	vor.u32 v0, v59;
	_ =	sdelay $0x3  }
0x39: {  	[tilespmem:s19+$0xFFFFFC30] =	vst v6  }
0x3a: {  	v6 =	vld.idx.msk [tilespmem:v60+s11+$0x0], $0xffff  }
0x3b: {  	v61 =	vor.u32 v1, v59;
	_ =	sdelay $0x3  }
0x3c: {  	[tilespmem:s19+$0xFFFFFC80] =	vst v6  }
0x3d: {  	v6 =	vld.idx.msk [tilespmem:v61+s11+$0x0], $0xffff  }
0x3e: {  	v62 =	vor.u32 v2, v59  }
0x3f: {  	(v2sf) =	vpush v5, $0x6;
	_ =	sdelay $0x1  }
0x40: {  	(v2sf) =	vpush v5, $0x7  }
0x41: {  	[tilespmem:s19+$0xFFFFFC90] =	vst v6  }
0x42: {  	v6 =	vld.idx.msk [tilespmem:v62+s11+$0x0], $0xffff  }
0x43: {  	v7 =	vor.u32 v3, v59;
	_ =	sdelay $0x3  }
0x44: {  	[tilespmem:s19+$0xFFFFFCA0] =	vst v6  }
0x45: {  	v6 =	vld.idx.msk [tilespmem:v7+s11+$0x0], $0xffff;
	_ =	sdelay $0x4  }
0x46: {  	s31 =	spop (v2sf);
	[tilespmem:s19+$0xFFFFFCB0] =	vst v6  }
0x47: {  	[tilespmem:s10], [sflag:$0x1] =	stream.strided.gather [hbm4b:s31+s8], $0x2000, s9, s8, $0x38;
	[tilespmem:$0x1C200] =	vst v63  }
0x48: {  	s22 =	spop (v2sf)  }
0x49: {  	v63 =	vbroadcast v4, $0x2;
	[tilespmem:s11], [sflag:$0x1] =	stream.strided.gather [hbm4b:s22+s8], $0x2000, s9, s8, $0x38;
	[tilespmem:$0x1C200] =	vst v63  }
0x4a: {  	_ =	swait.ge [sflag:s16], $0x2000  }
0x4b: {  	v12 =	vor.u32 v0, v63;
	[sflag:s16] =	ssyncset.done $0x0  }
0x4c: {  	[sflag:s16] =	ssyncadd.s32 $0xFFFFE000  }
0x4d: {  	_ =	swait.ge [sflag:s16], $0x2000  }
0x4e: {  	[sflag:s16] =	ssyncset.done $0x0  }
0x4f: {  	[sflag:s16] =	ssyncadd.s32 $0xFFFFE000  }
0x50: {  	v7 =	vld.idx.msk [tilespmem:v12+s12+$0x0], $0xffff  }
0x51: {  	v13 =	vor.u32 v1, v63;
	_ =	sdelay $0x3  }
0x52: {  	[tilespmem:s19+$0xFFFFFD00] =	vst v7  }
0x53: {  	v7 =	vld.idx.msk [tilespmem:v13+s12+$0x0], $0xffff  }
0x54: {  	v14 =	vor.u32 v2, v63;
	_ =	sdelay $0x3  }
0x55: {  	[tilespmem:s19+$0xFFFFFD10] =	vst v7  }
0x56: {  	v7 =	vld.idx.msk [tilespmem:v14+s12+$0x0], $0xffff  }
0x57: {  	v6 =	vor.u32 v3, v63;
	_ =	sdelay $0x3  }
0x58: {  	v15 =	vbroadcast v4, $0x3;
	[tilespmem:s19+$0xFFFFFD20] =	vst v7  }
0x59: {  	v6 =	vld.idx.msk [tilespmem:v6+s12+$0x0], $0xffff  }
0x5a: {  	v16 =	vor.u32 v0, v15;
	_ =	sdelay $0x3  }
0x5b: {  	[tilespmem:s19+$0xFFFFFD30] =	vst v6  }
0x5c: {  	v6 =	vld.idx.msk [tilespmem:v16+s13+$0x0], $0xffff  }
0x5d: {  	v17 =	vor.u32 v1, v15;
	_ =	sdelay $0x3  }
0x5e: {  	[tilespmem:s19+$0xFFFFFD80] =	vst v6  }
0x5f: {  	v6 =	vld.idx.msk [tilespmem:v17+s13+$0x0], $0xffff  }
0x60: {  	v18 =	vor.u32 v2, v15  }
0x61: {  	(v2sf) =	vpush v5, $0x8;
	_ =	sdelay $0x1  }
0x62: {  	(v2sf) =	vpush v5, $0x9  }
0x63: {  	[tilespmem:s19+$0xFFFFFD90] =	vst v6  }
0x64: {  	v6 =	vld.idx.msk [tilespmem:v18+s13+$0x0], $0xffff  }
0x65: {  	v7 =	vor.u32 v3, v15;
	_ =	sdelay $0x3  }
0x66: {  	[tilespmem:s19+$0xFFFFFDA0] =	vst v6  }
0x67: {  	v6 =	vld.idx.msk [tilespmem:v7+s13+$0x0], $0xffff;
	_ =	sdelay $0x4  }
0x68: {  	s23 =	spop (v2sf);
	[tilespmem:s19+$0xFFFFFDB0] =	vst v6  }
0x69: {  	[tilespmem:s12], [sflag:$0x1] =	stream.strided.gather [hbm4b:s23+s8], $0x2000, s9, s8, $0x38;
	[tilespmem:$0x1C200] =	vst v63  }
0x6a: {  	s24 =	spop (v2sf)  }
0x6b: {  	v19 =	vbroadcast v4, $0x4;
	[tilespmem:s13], [sflag:$0x1] =	stream.strided.gather [hbm4b:s24+s8], $0x2000, s9, s8, $0x38;
	[tilespmem:$0x1C200] =	vst v63  }
0x6c: {  	_ =	swait.ge [sflag:s16], $0x2000  }
0x6d: {  	v20 =	vor.u32 v0, v19;
	[sflag:s16] =	ssyncset.done $0x0  }
0x6e: {  	[sflag:s16] =	ssyncadd.s32 $0xFFFFE000  }
0x6f: {  	_ =	swait.ge [sflag:s16], $0x2000  }
0x70: {  	[sflag:s16] =	ssyncset.done $0x0  }
0x71: {  	[sflag:s16] =	ssyncadd.s32 $0xFFFFE000  }
0x72: {  	v7 =	vld.idx.msk [tilespmem:v20+s14+$0x0], $0xffff  }
0x73: {  	v21 =	vor.u32 v1, v19;
	_ =	sdelay $0x3  }
0x74: {  	[tilespmem:s19+$0xFFFFFE00] =	vst v7  }
0x75: {  	v7 =	vld.idx.msk [tilespmem:v21+s14+$0x0], $0xffff  }
0x76: {  	v22 =	vor.u32 v2, v19;
	_ =	sdelay $0x3  }
0x77: {  	[tilespmem:s19+$0xFFFFFE10] =	vst v7  }
0x78: {  	v7 =	vld.idx.msk [tilespmem:v22+s14+$0x0], $0xffff  }
0x79: {  	v6 =	vor.u32 v3, v19;
	_ =	sdelay $0x3  }
0x7a: {  	v23 =	vbroadcast v4, $0x5;
	[tilespmem:s19+$0xFFFFFE20] =	vst v7  }
0x7b: {  	v6 =	vld.idx.msk [tilespmem:v6+s14+$0x0], $0xffff  }
0x7c: {  	v24 =	vor.u32 v0, v23;
	_ =	sdelay $0x3  }
0x7d: {  	[tilespmem:s19+$0xFFFFFE30] =	vst v6  }
0x7e: {  	v6 =	vld.idx.msk [tilespmem:v24+s15+$0x0], $0xffff  }
0x7f: {  	v25 =	vor.u32 v1, v23;
	_ =	sdelay $0x3  }
0x80: {  	[tilespmem:s19+$0xFFFFFE80] =	vst v6  }
0x81: {  	v6 =	vld.idx.msk [tilespmem:v25+s15+$0x0], $0xffff  }
0x82: {  	v26 =	vor.u32 v2, v23  }
0x83: {  	(v2sf) =	vpush v5, $0xA;
	_ =	sdelay $0x1  }
0x84: {  	(v2sf) =	vpush v5, $0xB  }
0x85: {  	[tilespmem:s19+$0xFFFFFE90] =	vst v6  }
0x86: {  	v6 =	vld.idx.msk [tilespmem:v26+s15+$0x0], $0xffff  }
0x87: {  	v7 =	vor.u32 v3, v23;
	_ =	sdelay $0x3  }
0x88: {  	[tilespmem:s19+$0xFFFFFEA0] =	vst v6  }
0x89: {  	v6 =	vld.idx.msk [tilespmem:v7+s15+$0x0], $0xffff;
	_ =	sdelay $0x4  }
0x8a: {  	s25 =	spop (v2sf);
	[tilespmem:s19+$0xFFFFFEB0] =	vst v6  }
0x8b: {  	[tilespmem:s14], [sflag:$0x1] =	stream.strided.gather [hbm4b:s25+s8], $0x2000, s9, s8, $0x38;
	[tilespmem:$0x1C200] =	vst v63  }
0x8c: {  	s26 =	spop (v2sf)  }
0x8d: {  	v27 =	vbroadcast v4, $0x6;
	[tilespmem:s15], [sflag:$0x1] =	stream.strided.gather [hbm4b:s26+s8], $0x2000, s9, s8, $0x38;
	[tilespmem:$0x1C200] =	vst v63  }
0x8e: {  	_ =	swait.ge [sflag:s16], $0x2000  }
0x8f: {  	v28 =	vor.u32 v0, v27;
	[sflag:s16] =	ssyncset.done $0x0  }
0x90: {  	[sflag:s16] =	ssyncadd.s32 $0xFFFFE000  }
0x91: {  	_ =	swait.ge [sflag:s16], $0x2000  }
0x92: {  	[sflag:s16] =	ssyncset.done $0x0  }
0x93: {  	[sflag:s16] =	ssyncadd.s32 $0xFFFFE000  }
0x94: {  	v7 =	vld.idx.msk [tilespmem:v28+s10+$0x0], $0xffff  }
0x95: {  	v29 =	vor.u32 v1, v27;
	_ =	sdelay $0x3  }
0x96: {  	[tilespmem:s19+$0xFFFFFF00] =	vst v7  }
0x97: {  	v7 =	vld.idx.msk [tilespmem:v29+s10+$0x0], $0xffff  }
0x98: {  	v30 =	vor.u32 v2, v27;
	_ =	sdelay $0x3  }
0x99: {  	[tilespmem:s19+$0xFFFFFF10] =	vst v7  }
0x9a: {  	v7 =	vld.idx.msk [tilespmem:v30+s10+$0x0], $0xffff  }
0x9b: {  	v6 =	vor.u32 v3, v27;
	_ =	sdelay $0x3  }
0x9c: {  	v31 =	vbroadcast v4, $0x7;
	[tilespmem:s19+$0xFFFFFF20] =	vst v7  }
0x9d: {  	v6 =	vld.idx.msk [tilespmem:v6+s10+$0x0], $0xffff  }
0x9e: {  	v32 =	vor.u32 v0, v31;
	_ =	sdelay $0x3  }
0x9f: {  	[tilespmem:s19+$0xFFFFFF30] =	vst v6  }
0xa0: {  	v6 =	vld.idx.msk [tilespmem:v32+s11+$0x0], $0xffff  }
0xa1: {  	v33 =	vor.u32 v1, v31;
	_ =	sdelay $0x3  }
0xa2: {  	[tilespmem:s19+$0xFFFFFF80] =	vst v6  }
0xa3: {  	v6 =	vld.idx.msk [tilespmem:v33+s11+$0x0], $0xffff  }
0xa4: {  	v34 =	vor.u32 v2, v31  }
0xa5: {  	(v2sf) =	vpush v5, $0xC;
	_ =	sdelay $0x1  }
0xa6: {  	(v2sf) =	vpush v5, $0xD  }
0xa7: {  	[tilespmem:s19+$0xFFFFFF90] =	vst v6  }
0xa8: {  	v6 =	vld.idx.msk [tilespmem:v34+s11+$0x0], $0xffff  }
0xa9: {  	v7 =	vor.u32 v3, v31;
	_ =	sdelay $0x3  }
0xaa: {  	[tilespmem:s19+$0xFFFFFFA0] =	vst v6  }
0xab: {  	v6 =	vld.idx.msk [tilespmem:v7+s11+$0x0], $0xffff;
	_ =	sdelay $0x4  }
0xac: {  	s28 =	spop (v2sf);
	[tilespmem:s19+$0xFFFFFFB0] =	vst v6  }
0xad: {  	[tilespmem:s10], [sflag:$0x1] =	stream.strided.gather [hbm4b:s28+s8], $0x2000, s9, s8, $0x38;
	[tilespmem:$0x1C200] =	vst v63  }
0xae: {  	s29 =	spop (v2sf)  }
0xaf: {  	v35 =	vbroadcast v4, $0x8;
	[tilespmem:s11], [sflag:$0x1] =	stream.strided.gather [hbm4b:s29+s8], $0x2000, s9, s8, $0x38;
	[tilespmem:$0x1C200] =	vst v63  }
0xb0: {  	_ =	swait.ge [sflag:s16], $0x2000  }
0xb1: {  	v36 =	vor.u32 v0, v35;
	[sflag:s16] =	ssyncset.done $0x0  }
0xb2: {  	[sflag:s16] =	ssyncadd.s32 $0xFFFFE000  }
0xb3: {  	_ =	swait.ge [sflag:s16], $0x2000  }
0xb4: {  	[sflag:s16] =	ssyncset.done $0x0  }
0xb5: {  	[sflag:s16] =	ssyncadd.s32 $0xFFFFE000  }
0xb6: {  	v7 =	vld.idx.msk [tilespmem:v36+s12+$0x0], $0xffff  }
0xb7: {  	v37 =	vor.u32 v1, v35;
	_ =	sdelay $0x3  }
0xb8: {  	[tilespmem:s19+$0x0] =	vst v7  }
0xb9: {  	v7 =	vld.idx.msk [tilespmem:v37+s12+$0x0], $0xffff  }
0xba: {  	v38 =	vor.u32 v2, v35;
	_ =	sdelay $0x3  }
0xbb: {  	[tilespmem:s19+$0x10] =	vst v7  }
0xbc: {  	v7 =	vld.idx.msk [tilespmem:v38+s12+$0x0], $0xffff  }
0xbd: {  	v6 =	vor.u32 v3, v35;
	_ =	sdelay $0x3  }
0xbe: {  	v39 =	vbroadcast v4, $0x9;
	[tilespmem:s19+$0x20] =	vst v7  }
0xbf: {  	v6 =	vld.idx.msk [tilespmem:v6+s12+$0x0], $0xffff  }
0xc0: {  	v40 =	vor.u32 v0, v39;
	_ =	sdelay $0x3  }
0xc1: {  	[tilespmem:s19+$0x30] =	vst v6  }
0xc2: {  	v6 =	vld.idx.msk [tilespmem:v40+s13+$0x0], $0xffff  }
0xc3: {  	v41 =	vor.u32 v1, v39;
	_ =	sdelay $0x3  }
0xc4: {  	[tilespmem:s19+$0x80] =	vst v6  }
0xc5: {  	v6 =	vld.idx.msk [tilespmem:v41+s13+$0x0], $0xffff  }
0xc6: {  	v42 =	vor.u32 v2, v39  }
0xc7: {  	(v2sf) =	vpush v5, $0xE;
	_ =	sdelay $0x1  }
0xc8: {  	(v2sf) =	vpush v5, $0xF  }
0xc9: {  	[tilespmem:s19+$0x90] =	vst v6  }
0xca: {  	v5 =	vld.idx.msk [tilespmem:v42+s13+$0x0], $0xffff  }
0xcb: {  	v43 =	vor.u32 v3, v39;
	_ =	sdelay $0x3  }
0xcc: {  	[tilespmem:s19+$0xA0] =	vst v5  }
0xcd: {  	v5 =	vld.idx.msk [tilespmem:v43+s13+$0x0], $0xffff;
	_ =	sdelay $0x4  }
0xce: {  	s30 =	spop (v2sf);
	[tilespmem:s19+$0xB0] =	vst v5  }
0xcf: {  	[tilespmem:s12], [sflag:$0x1] =	stream.strided.gather [hbm4b:s30+s8], $0x2000, s9, s8, $0x38;
	[tilespmem:$0x1C200] =	vst v63  }
0xd0: {  	s31 =	spop (v2sf)  }
0xd1: {  	v5 =	vbroadcast v4, $0xA;
	[tilespmem:s13], [sflag:$0x1] =	stream.strided.gather [hbm4b:s31+s8], $0x2000, s9, s8, $0x38;
	[tilespmem:$0x1C200] =	vst v63  }
0xd2: {  	_ =	swait.ge [sflag:s16], $0x2000  }
0xd3: {  	v44 =	vor.u32 v0, v5;
	[sflag:s16] =	ssyncset.done $0x0  }
0xd4: {  	[sflag:s16] =	ssyncadd.s32 $0xFFFFE000  }
0xd5: {  	_ =	swait.ge [sflag:s16], $0x2000  }
0xd6: {  	[sflag:s16] =	ssyncset.done $0x0  }
0xd7: {  	[sflag:s16] =	ssyncadd.s32 $0xFFFFE000  }
0xd8: {  	v6 =	vld.idx.msk [tilespmem:v44+s14+$0x0], $0xffff  }
0xd9: {  	v45 =	vor.u32 v1, v5;
	_ =	sdelay $0x3  }
0xda: {  	[tilespmem:s19+$0x100] =	vst v6  }
0xdb: {  	v6 =	vld.idx.msk [tilespmem:v45+s14+$0x0], $0xffff  }
0xdc: {  	v46 =	vor.u32 v2, v5;
	_ =	sdelay $0x3  }
0xdd: {  	[tilespmem:s19+$0x110] =	vst v6  }
0xde: {  	v6 =	vld.idx.msk [tilespmem:v46+s14+$0x0], $0xffff  }
0xdf: {  	v5 =	vor.u32 v3, v5;
	_ =	sdelay $0x3  }
0xe0: {  	v47 =	vbroadcast v4, $0xB;
	[tilespmem:s19+$0x120] =	vst v6  }
0xe1: {  	v5 =	vld.idx.msk [tilespmem:v5+s14+$0x0], $0xffff  }
0xe2: {  	v48 =	vor.u32 v0, v47;
	_ =	sdelay $0x3  }
0xe3: {  	[tilespmem:s19+$0x130] =	vst v5  }
0xe4: {  	v5 =	vld.idx.msk [tilespmem:v48+s15+$0x0], $0xffff  }
0xe5: {  	v49 =	vor.u32 v1, v47;
	_ =	sdelay $0x3  }
0xe6: {  	[tilespmem:s19+$0x180] =	vst v5  }
0xe7: {  	v5 =	vld.idx.msk [tilespmem:v49+s15+$0x0], $0xffff  }
0xe8: {  	v50 =	vor.u32 v2, v47;
	_ =	sdelay $0x3  }
0xe9: {  	[tilespmem:s19+$0x190] =	vst v5  }
0xea: {  	v5 =	vld.idx.msk [tilespmem:v50+s15+$0x0], $0xffff  }
0xeb: {  	v6 =	vor.u32 v3, v47;
	_ =	sdelay $0x3  }
0xec: {  	[tilespmem:s19+$0x1A0] =	vst v5  }
0xed: {  	v5 =	vld.idx.msk [tilespmem:v6+s15+$0x0], $0xffff;
	_ =	sdelay $0x4  }
0xee: {  	[tilespmem:s19+$0x1B0] =	vst v5;
	v5 =	vbroadcast v4, $0xC  }
0xef: {  	_ =	swait.ge [sflag:s16], $0x2000  }
0xf0: {  	[sflag:s16] =	ssyncset.done $0x0;
	v51 =	vor.u32 v0, v5  }
0xf1: {  	[sflag:s16] =	ssyncadd.s32 $0xFFFFE000  }
0xf2: {  	_ =	swait.ge [sflag:s16], $0x2000  }
0xf3: {  	[sflag:s16] =	ssyncset.done $0x0  }
0xf4: {  	[sflag:s16] =	ssyncadd.s32 $0xFFFFE000  }
0xf5: {  	v6 =	vld.idx.msk [tilespmem:v51+s10+$0x0], $0xffff  }
0xf6: {  	v52 =	vor.u32 v1, v5;
	_ =	sdelay $0x3  }
0xf7: {  	[tilespmem:s19+$0x200] =	vst v6  }
0xf8: {  	v6 =	vld.idx.msk [tilespmem:v52+s10+$0x0], $0xffff  }
0xf9: {  	v53 =	vor.u32 v2, v5;
	_ =	sdelay $0x3  }
0xfa: {  	[tilespmem:s19+$0x210] =	vst v6  }
0xfb: {  	v6 =	vld.idx.msk [tilespmem:v53+s10+$0x0], $0xffff  }
0xfc: {  	v5 =	vor.u32 v3, v5;
	_ =	sdelay $0x3  }
0xfd: {  	v54 =	vbroadcast v4, $0xD;
	[tilespmem:s19+$0x220] =	vst v6  }
0xfe: {  	v5 =	vld.idx.msk [tilespmem:v5+s10+$0x0], $0xffff  }
0xff: {  	v55 =	vor.u32 v0, v54;
	_ =	sdelay $0x3  }
0x100: {  	[tilespmem:s19+$0x230] =	vst v5  }
0x101: {  	v5 =	vld.idx.msk [tilespmem:v55+s11+$0x0], $0xffff  }
0x102: {  	v56 =	vor.u32 v1, v54;
	_ =	sdelay $0x3  }
0x103: {  	[tilespmem:s19+$0x280] =	vst v5  }
0x104: {  	v5 =	vld.idx.msk [tilespmem:v56+s11+$0x0], $0xffff  }
0x105: {  	v57 =	vor.u32 v2, v54;
	_ =	sdelay $0x3  }
0x106: {  	[tilespmem:s19+$0x290] =	vst v5  }
0x107: {  	v5 =	vld.idx.msk [tilespmem:v57+s11+$0x0], $0xffff  }
0x108: {  	v6 =	vor.u32 v3, v54;
	_ =	sdelay $0x3  }
0x109: {  	[tilespmem:s19+$0x2A0] =	vst v5  }
0x10a: {  	v5 =	vld.idx.msk [tilespmem:v6+s11+$0x0], $0xffff;
	_ =	sdelay $0x4  }
0x10b: {  	[tilespmem:s19+$0x2B0] =	vst v5;
	v5 =	vbroadcast v4, $0xE  }
0x10c: {  	_ =	swait.ge [sflag:s16], $0x2000  }
0x10d: {  	[sflag:s16] =	ssyncset.done $0x0;
	v58 =	vor.u32 v0, v5  }
0x10e: {  	[sflag:s16] =	ssyncadd.s32 $0xFFFFE000  }
0x10f: {  	_ =	swait.ge [sflag:s16], $0x2000  }
0x110: {  	[sflag:s16] =	ssyncset.done $0x0  }
0x111: {  	[sflag:s16] =	ssyncadd.s32 $0xFFFFE000  }
0x112: {  	v6 =	vld.idx.msk [tilespmem:v58+s12+$0x0], $0xffff  }
0x113: {  	v59 =	vor.u32 v1, v5;
	_ =	sdelay $0x3  }
0x114: {  	[tilespmem:s19+$0x300] =	vst v6  }
0x115: {  	v6 =	vld.idx.msk [tilespmem:v59+s12+$0x0], $0xffff  }
0x116: {  	v60 =	vor.u32 v2, v5;
	_ =	sdelay $0x3  }
0x117: {  	[tilespmem:s19+$0x310] =	vst v6  }
0x118: {  	v6 =	vld.idx.msk [tilespmem:v60+s12+$0x0], $0xffff  }
0x119: {  	v5 =	vor.u32 v3, v5;
	_ =	sdelay $0x3  }
0x11a: {  	v4 =	vbroadcast v4, $0xF;
	[tilespmem:s19+$0x320] =	vst v6  }
0x11b: {  	v5 =	vld.idx.msk [tilespmem:v5+s12+$0x0], $0xffff  }
0x11c: {  	v61 =	vor.u32 v0, v4;
	_ =	sdelay $0x3  }
0x11d: {  	[tilespmem:s19+$0x330] =	vst v5  }
0x11e: {  	v5 =	vld.idx.msk [tilespmem:v61+s13+$0x0], $0xffff  }
0x11f: {  	v62 =	vor.u32 v1, v4;
	_ =	sdelay $0x3  }
0x120: {  	[tilespmem:s19+$0x380] =	vst v5  }
0x121: {  	v5 =	vld.idx.msk [tilespmem:v62+s13+$0x0], $0xffff  }
0x122: {  	v63 =	vor.u32 v2, v4;
	_ =	sdelay $0x3  }
0x123: {  	[tilespmem:s19+$0x390] =	vst v5  }
0x124: {  	v5 =	vld.idx.msk [tilespmem:v63+s13+$0x0], $0xffff  }
0x125: {  	v4 =	vor.u32 v3, v4;
	_ =	sdelay $0x3  }
0x126: {  	[tilespmem:s19+$0x3A0] =	vst v5  }
0x127: {  	p0 =	sne.s32 s20, $0x7C0;
	v4 =	vld.idx.msk [tilespmem:v4+s13+$0x0], $0xffff  }
.Ltmp0:
0x128: {  	_ = 	snop;
	(pc) =	sbr.rel @p0 .LBB2_2-.Ltmp0, $2  }
0x129: {  	_ =	sdelay $0x2  }
0x12a: {  	s20 =	sadd.s32 $0x40, s20;
	[tilespmem:s19+$0x3B0] =	vst v4;
	s19 =	sadd.s32 $0x800, s19  }
0x12b: {  	s18 =	sadd.s32 $0x1, s18  }
0x12c: {  	p0 =	sne.s32 s18, s6  }
.Ltmp1:
0x12d: {  	_ = 	snop;
	(pc) =	sbr.rel @p0 .LBB2_1-.Ltmp1, $4  }
0x12e: {  	[hbm4b:s5+s3] =	stream.linear.scatter [tilespmem:s17], [sflag:$0x2], $0x10000, $0x38;
	[tilespmem:$0x1C200] =	vst v63  }
0x12f: {  	_ =	swait.ge [sflag:s7], $0x10000  }
0x130: {  	[sflag:s7] =	ssyncset.done $0x0  }
0x131: {  	[sflag:s7] =	ssyncadd.s32 $0xFFFF0000  }
0x132: {  	_ =	sfence.sel $0x180000  }
0x133: {  	[bflag:$0x0] =	sbarrier.arrive $0xFFFF  }
0x134: {  	p0 =	sne.s32 s2, $0x0;
	_ =	strace $0x90000047  }
0x135: {  	s0 =	sadd.s32 @!p0 $0x100000, s0;
	[bflag:$0x2] =	sbarrier.arrive $0xFFFF  }
0x136: {  	[sflag:s0] =	ssyncadd.tile.s32 @!p0 $0x1;
	_ =	shalt  }
.Lfunc_end2:
_tile_overlayer_lowered:
.L_overlay_start_2:
0x137: {  	(tag) =	ssettag $0x2  }
0x138: {  	s0 =	rddreg [dreg:$0x0];
	s2 =	stileid.u32  }
0x139: {  	s1 =	rddreg [dreg:$0x1];
	p0 =	sne.s32 s2, $0x0  }
0x13a: {  	s3 =	rddreg [dreg:$0x2];
	[bflag:$0x3] =	sbarrier.arrive $0xFFFF;
	s2 =	simm.s32 @!p0 $0x1C02  }
0x13b: {  	[timem:s3], [sflag:s2] =	dma.local @!p0 [hbm:s0], s1  }
0x13c: {  	s0 =	simm.s32 @!p0 $0x2  }
0x13d: {  	_ =	swait.ge @!p0 [sflag:s0], s1  }
0x13e: {  	s1 =	ssub.s32 @!p0 $0x0, s1;
	[sflag:s0] =	ssyncset.done @!p0 $0x0  }
0x13f: {  	[sflag:s0] =	ssyncadd.s32 @!p0 s1  }
0x140: {  	[bflag:$0x3] =	sbarrier.arrive $0xFFFF  }
0x141: {  	_ =	shalt  }

</sc_bundles>
